<compile_context>
chip_gen: v7x
topology: tpu7x:2x2x1
jax: 0.10.2.dev20260603
libtpu: 0.0.44.dev20260713+nightly
codegen_flags: <defaults>
</compile_context>

<pallas_src>
import functools

import jax
import jax.numpy as jnp
from jax import lax
from jax.experimental import pallas as pl
from jax.experimental.pallas import tpu as pltpu
from jax.experimental.pallas import tpu_sc as plsc

P, C, D = 5, 100000, 64
B, T = 4096, 200
N = B * T

_ROWS = 2048
_NFG = -(-C // _ROWS)
_BG_ROW = _NFG * _ROWS
_TABLE_ROWS = (_NFG + 1) * _ROWS


def _table_body(fg_ref, bg_ref, out_ref):
    j = pl.program_id(0)

    @pl.when(j < _NFG)
    def _fg():
        x = fg_ref[...]
        m = jnp.sum(x, axis=0) * (1.0 / P)
        norm = jnp.sqrt(jnp.sum(m * m, axis=0, keepdims=True))
        out_ref[...] = (m / jnp.maximum(norm, 1e-5)).T

    @pl.when(j == _NFG)
    def _bg():
        b = bg_ref[...]
        norm = jnp.sqrt(jnp.sum(b * b, axis=1, keepdims=True))
        out_ref[...] = jnp.broadcast_to(b / jnp.maximum(norm, 1e-5), (_ROWS, D))


def _build_table(fg, bg):
    fg_t = jnp.transpose(fg, (0, 2, 1))
    return pl.pallas_call(
        _table_body,
        grid=(_NFG + 1,),
        in_specs=[
            pl.BlockSpec((P, D, _ROWS), lambda j: (0, 0, jnp.minimum(j, _NFG - 1))),
            pl.BlockSpec((1, D), lambda j: (0, 0)),
        ],
        out_specs=pl.BlockSpec((_ROWS, D), lambda j: (j, 0)),
        out_shape=jax.ShapeDtypeStruct((_TABLE_ROWS, D), jnp.float32),
    )(fg_t, bg)




def _remap_body(t_ref, out_ref):
    t = t_ref[...]
    out_ref[...] = jnp.where(t == 0, _BG_ROW, t - 1)


def _remap_indices(transcripts):
    t_t = jnp.transpose(transcripts.astype(jnp.int32))
    return pl.pallas_call(
        _remap_body,
        grid=(8,),
        in_specs=[pl.BlockSpec((T, B // 8), lambda j: (0, j))],
        out_specs=pl.BlockSpec((T, B // 8), lambda j: (0, j)),
        out_shape=jax.ShapeDtypeStruct((T, B), jnp.int32),
    )(t_t)


_NC, _NS = 2, 16
_NW = _NC * _NS
_BPW = B // _NW
_K = 10
_NSUPER = T // _K


def _gather_body(table_hbm, idx_hbm, out_hbm, idx_v, rows_v, gsem, ssem):
    wid = lax.axis_index("s") * _NC + lax.axis_index("c")
    b0 = wid * _BPW
    pltpu.sync_copy(idx_hbm.at[:, pl.ds(b0, _BPW)], idx_v)

    def superstep(s, carry):
        cps = []
        for i in range(_K):
            cps.append(
                pltpu.async_copy(
                    table_hbm.at[idx_v.at[s * _K + i]],
                    rows_v.at[i],
                    gsem,
                )
            )
        for cp in cps:
            cp.wait()
        sps = []
        for i in range(_K):
            sps.append(
                pltpu.async_copy(
                    rows_v.at[i],
                    out_hbm.at[s * _K + i, pl.ds(b0, _BPW), pl.ds(0, D)],
                    ssem,
                )
            )
        for sp in sps:
            sp.wait()
        return carry

    lax.fori_loop(0, _NSUPER, superstep, 0)


@functools.cache
def _make_gather():
    @functools.partial(
        pl.kernel,
        mesh=plsc.VectorSubcoreMesh(core_axis_name="c", subcore_axis_name="s"),
        out_type=jax.ShapeDtypeStruct((T, B, 128), jnp.float32),
        compiler_params=pltpu.CompilerParams(use_tc_tiling_on_sc=False),
        scratch_types=[
            pltpu.VMEM((T, _BPW), jnp.int32),
            pltpu.VMEM((_K, _BPW, D), jnp.float32),
            pltpu.SemaphoreType.DMA,
            pltpu.SemaphoreType.DMA,
        ],
    )
    def _gather_rows(table_hbm, idx_hbm, out_hbm, idx_v, rows_v, gsem, ssem):
        _gather_body(table_hbm, idx_hbm, out_hbm, idx_v, rows_v, gsem, ssem)

    return _gather_rows


def kernel(transcripts, fg_action_embedding, bg_embedding):
    table = _build_table(fg_action_embedding, bg_embedding)
    idx = _remap_indices(transcripts)
    out = _make_gather()(table, idx)
    return jnp.transpose(out, (1, 0, 2))[:, :, :D]

# --- scband reference (transcript-rebuilt; emitter-appended) ---
"""Pipeline reference for scband-class-embedding-54709293416659 (READ-ONLY COPY).

The authoritative reference and input builder live on the scoring server;
editing this copy changes nothing except your own understanding.
"""

import jax, jax.numpy as jnp
import numpy as np

P, C, D = 5, 100000, 64
B, T = 4096, 200


def setup_inputs(seed: int = 0) -> dict:
    key = jax.random.key(seed)
    k1, k2, k3 = jax.random.split(key, 3)
    fg_action_embedding = jax.random.normal(k1, (P, C, D), dtype=jnp.float32)
    bg_embedding = jax.random.normal(k2, (1, D), dtype=jnp.float32)
    transcripts = jax.random.randint(k3, (B, T), 0, C + 1)  # 0 = bg, 1..C = fg classes
    return {
        "transcripts": transcripts,
        "fg_action_embedding": fg_action_embedding,
        "bg_embedding": bg_embedding,
    }


def reference(transcripts, fg_action_embedding, bg_embedding):
    # init_embedding with psample='all': mean over prompt dim
    batch_fg_action_embedding = fg_action_embedding.mean(axis=0)  # [C, D]
    class_embedding_table = jnp.concatenate([bg_embedding, batch_fg_action_embedding], axis=0)  # [C+1, D]
    # embedding lookup (gather)
    class_embedding = jnp.take(class_embedding_table, transcripts, axis=0)  # [B, T, D]
    # L2 normalize with clamp
    norm = jnp.linalg.norm(class_embedding, axis=-1, keepdims=True)
    class_embedding = class_embedding / jnp.maximum(norm, 1e-05)
    return class_embedding

if __name__ == "__main__":
    import jax
    _d = setup_inputs()
    print(jax.jit(kernel)(*tuple(_d.values())))

</pallas_src>

<mosaic_0001>
#map = affine_map<(d0, d1) -> (0, 0)>
#map1 = affine_map<(d0, d1) -> (0, 0, 0)>
module attributes {stable_mosaic.version = 14 : i64} {
  func.func @_gather_rows(%arg0: i32, %arg1: i32, %arg2: memref<102400x64xf32, #tpu.memory_space<hbm>>, %arg3: memref<200x4096xi32, #tpu.memory_space<hbm>>, %arg4: memref<200x4096x128xf32, #tpu.memory_space<hbm>>, %arg5: memref<200x128xi32, #tpu.memory_space<vmem>>, %arg6: memref<10x128x64xf32, #tpu.memory_space<vmem>>, %arg7: memref<!tpu.dma_semaphore, #tpu.memory_space<semaphore_mem>>, %arg8: memref<!tpu.dma_semaphore, #tpu.memory_space<semaphore_mem>>) attributes {dimension_semantics = [#tpu.dimension_semantics<core_parallel>, #tpu.dimension_semantics<subcore_parallel>], iteration_bounds = array<i64: 2, 16>, scalar_prefetch = 0 : i64, scratch_operands = 4 : i64, tpu.core_type = #tpu.core_type<sc_vector_subcore>, window_params = [{transform_indices = #map}, {transform_indices = #map}, {transform_indices = #map1}]} {
    %mul3A = arith.constant 2 : i32
    %mul3A_0 = arith.muli %arg1, %mul3A : i32
    %add3A = arith.addi %mul3A_0, %arg0 : i32
    %mul3A_1 = arith.constant 128 : i32
    %mul3A_2 = arith.muli %add3A, %mul3A_1 : i32
    "tpu.region"() ({
      %run_scoped3A = tpu.sem_alloc : memref<!tpu.dma_semaphore, #tpu.memory_space<semaphore_mem>>
      %dma_start3A = arith.constant 0 : i32
      %dma_start3A_8 = tpu.memref_slice %arg3[%dma_start3A, %mul3A_2] : memref<200x4096xi32, #tpu.memory_space<hbm>> -> memref<200x128xi32, #tpu.memory_space<hbm>>
      %dma_start3A_9 = arith.constant 0 : i32
      %dma_start3A_10 = tpu.memref_slice %arg3[%dma_start3A_9, %mul3A_2] : memref<200x4096xi32, #tpu.memory_space<hbm>> -> memref<200x128xi32, #tpu.memory_space<hbm>>
      tpu.enqueue_dma source(%dma_start3A_10 : memref<200x128xi32, #tpu.memory_space<hbm>>) target(%arg5 : memref<200x128xi32, #tpu.memory_space<vmem>>) target_semaphore(%run_scoped3A : memref<!tpu.dma_semaphore, #tpu.memory_space<semaphore_mem>>)
      %dma_wait3A = arith.constant 0 : i32
      %dma_wait3A_11 = tpu.memref_slice %arg3[%dma_wait3A, %mul3A_2] : memref<200x4096xi32, #tpu.memory_space<hbm>> -> memref<200x128xi32, #tpu.memory_space<hbm>>
      %dma_wait3A_12 = arith.constant 0 : i32
      %dma_wait3A_13 = tpu.memref_slice %arg3[%dma_wait3A_12, %mul3A_2] : memref<200x4096xi32, #tpu.memory_space<hbm>> -> memref<200x128xi32, #tpu.memory_space<hbm>>
      tpu.wait_dma2 semaphore(%run_scoped3A : memref<!tpu.dma_semaphore, #tpu.memory_space<semaphore_mem>>) src(%dma_wait3A_13 : memref<200x128xi32, #tpu.memory_space<hbm>>) dst(%arg5 : memref<200x128xi32, #tpu.memory_space<vmem>>)
      tpu.yield
    }) : () -> ()
    %scan3A = arith.constant 0 : i32
    %scan3A_3 = arith.constant 0 : i32
    %scan3A_4 = arith.constant 20 : i32
    %scan3A_5 = arith.addi %scan3A_3, %scan3A_4 : i32
    %scan3A_6 = arith.constant 1 : i32
    scf.for %scan3A_8 = %scan3A_3 to %scan3A_5 step %scan3A_6  : i32 {
      %mul3A_9 = arith.constant 10 : i32
      %mul3A_10 = arith.muli %scan3A_8, %mul3A_9 : i32
      %add3A_11 = arith.constant 0 : i32
      %add3A_12 = arith.addi %mul3A_10, %add3A_11 : i32
      %dma_start3A = arith.constant 0 : i32
      %dma_start3A_13 = arith.constant 0 : i32
      %dma_start3A_14 = arith.constant 0 : i32
      %dma_start3A_15 = tpu.memref_slice %arg6[%dma_start3A, %dma_start3A_13, %dma_start3A_14] : memref<10x128x64xf32, #tpu.memory_space<vmem>> -> memref<1x128x64xf32, #tpu.memory_space<vmem>>
      %dma_start3A_16 = tpu.memref_squeeze %dma_start3A_15 : memref<1x128x64xf32, #tpu.memory_space<vmem>> -> memref<128x64xf32, #tpu.memory_space<vmem>>
      %dma_start3A_17 = arith.constant 0 : i32
      %dma_start3A_18 = tpu.memref_slice %arg5[%add3A_12, %dma_start3A_17] : memref<200x128xi32, #tpu.memory_space<vmem>> -> memref<1x128xi32, #tpu.memory_space<vmem>>
      %dma_start3A_19 = tpu.memref_squeeze %dma_start3A_18 : memref<1x128xi32, #tpu.memory_space<vmem>> -> memref<128xi32, #tpu.memory_space<vmem>>
      %dma_start3A_20 = arith.constant 0 : i32
      %dma_start3A_21 = arith.constant 0 : i32
      %dma_start3A_22 = tpu.memref_slice %arg2[%dma_start3A_20, %dma_start3A_21] : memref<102400x64xf32, #tpu.memory_space<hbm>> -> memref<102400x64xf32, #tpu.memory_space<hbm>>
      tpu.enqueue_indirect_dma source(%dma_start3A_22 : memref<102400x64xf32, #tpu.memory_space<hbm>>) target(%dma_start3A_16 : memref<128x64xf32, #tpu.memory_space<vmem>>) offsets(%dma_start3A_19 : memref<128xi32, #tpu.memory_space<vmem>>) semaphore(%arg7 : memref<!tpu.dma_semaphore, #tpu.memory_space<semaphore_mem>>)
      %mul3A_23 = arith.constant 10 : i32
      %mul3A_24 = arith.muli %scan3A_8, %mul3A_23 : i32
      %add3A_25 = arith.constant 1 : i32
      %add3A_26 = arith.addi %mul3A_24, %add3A_25 : i32
      %dma_start3A_27 = arith.constant 1 : i32
      %dma_start3A_28 = arith.constant 0 : i32
      %dma_start3A_29 = arith.constant 0 : i32
      %dma_start3A_30 = tpu.memref_slice %arg6[%dma_start3A_27, %dma_start3A_28, %dma_start3A_29] : memref<10x128x64xf32, #tpu.memory_space<vmem>> -> memref<1x128x64xf32, #tpu.memory_space<vmem>>
      %dma_start3A_31 = tpu.memref_squeeze %dma_start3A_30 : memref<1x128x64xf32, #tpu.memory_space<vmem>> -> memref<128x64xf32, #tpu.memory_space<vmem>>
      %dma_start3A_32 = arith.constant 0 : i32
      %dma_start3A_33 = tpu.memref_slice %arg5[%add3A_26, %dma_start3A_32] : memref<200x128xi32, #tpu.memory_space<vmem>> -> memref<1x128xi32, #tpu.memory_space<vmem>>
      %dma_start3A_34 = tpu.memref_squeeze %dma_start3A_33 : memref<1x128xi32, #tpu.memory_space<vmem>> -> memref<128xi32, #tpu.memory_space<vmem>>
      %dma_start3A_35 = arith.constant 0 : i32
      %dma_start3A_36 = arith.constant 0 : i32
      %dma_start3A_37 = tpu.memref_slice %arg2[%dma_start3A_35, %dma_start3A_36] : memref<102400x64xf32, #tpu.memory_space<hbm>> -> memref<102400x64xf32, #tpu.memory_space<hbm>>
      tpu.enqueue_indirect_dma source(%dma_start3A_37 : memref<102400x64xf32, #tpu.memory_space<hbm>>) target(%dma_start3A_31 : memref<128x64xf32, #tpu.memory_space<vmem>>) offsets(%dma_start3A_34 : memref<128xi32, #tpu.memory_space<vmem>>) semaphore(%arg7 : memref<!tpu.dma_semaphore, #tpu.memory_space<semaphore_mem>>)
      %mul3A_38 = arith.constant 10 : i32
      %mul3A_39 = arith.muli %scan3A_8, %mul3A_38 : i32
      %add3A_40 = arith.constant 2 : i32
      %add3A_41 = arith.addi %mul3A_39, %add3A_40 : i32
      %dma_start3A_42 = arith.constant 2 : i32
      %dma_start3A_43 = arith.constant 0 : i32
      %dma_start3A_44 = arith.constant 0 : i32
      %dma_start3A_45 = tpu.memref_slice %arg6[%dma_start3A_42, %dma_start3A_43, %dma_start3A_44] : memref<10x128x64xf32, #tpu.memory_space<vmem>> -> memref<1x128x64xf32, #tpu.memory_space<vmem>>
      %dma_start3A_46 = tpu.memref_squeeze %dma_start3A_45 : memref<1x128x64xf32, #tpu.memory_space<vmem>> -> memref<128x64xf32, #tpu.memory_space<vmem>>
      %dma_start3A_47 = arith.constant 0 : i32
      %dma_start3A_48 = tpu.memref_slice %arg5[%add3A_41, %dma_start3A_47] : memref<200x128xi32, #tpu.memory_space<vmem>> -> memref<1x128xi32, #tpu.memory_space<vmem>>
      %dma_start3A_49 = tpu.memref_squeeze %dma_start3A_48 : memref<1x128xi32, #tpu.memory_space<vmem>> -> memref<128xi32, #tpu.memory_space<vmem>>
      %dma_start3A_50 = arith.constant 0 : i32
      %dma_start3A_51 = arith.constant 0 : i32
      %dma_start3A_52 = tpu.memref_slice %arg2[%dma_start3A_50, %dma_start3A_51] : memref<102400x64xf32, #tpu.memory_space<hbm>> -> memref<102400x64xf32, #tpu.memory_space<hbm>>
      tpu.enqueue_indirect_dma source(%dma_start3A_52 : memref<102400x64xf32, #tpu.memory_space<hbm>>) target(%dma_start3A_46 : memref<128x64xf32, #tpu.memory_space<vmem>>) offsets(%dma_start3A_49 : memref<128xi32, #tpu.memory_space<vmem>>) semaphore(%arg7 : memref<!tpu.dma_semaphore, #tpu.memory_space<semaphore_mem>>)
      %mul3A_53 = arith.constant 10 : i32
      %mul3A_54 = arith.muli %scan3A_8, %mul3A_53 : i32
      %add3A_55 = arith.constant 3 : i32
      %add3A_56 = arith.addi %mul3A_54, %add3A_55 : i32
      %dma_start3A_57 = arith.constant 3 : i32
      %dma_start3A_58 = arith.constant 0 : i32
      %dma_start3A_59 = arith.constant 0 : i32
      %dma_start3A_60 = tpu.memref_slice %arg6[%dma_start3A_57, %dma_start3A_58, %dma_start3A_59] : memref<10x128x64xf32, #tpu.memory_space<vmem>> -> memref<1x128x64xf32, #tpu.memory_space<vmem>>
      %dma_start3A_61 = tpu.memref_squeeze %dma_start3A_60 : memref<1x128x64xf32, #tpu.memory_space<vmem>> -> memref<128x64xf32, #tpu.memory_space<vmem>>
      %dma_start3A_62 = arith.constant 0 : i32
      %dma_start3A_63 = tpu.memref_slice %arg5[%add3A_56, %dma_start3A_62] : memref<200x128xi32, #tpu.memory_space<vmem>> -> memref<1x128xi32, #tpu.memory_space<vmem>>
      %dma_start3A_64 = tpu.memref_squeeze %dma_start3A_63 : memref<1x128xi32, #tpu.memory_space<vmem>> -> memref<128xi32, #tpu.memory_space<vmem>>
      %dma_start3A_65 = arith.constant 0 : i32
      %dma_start3A_66 = arith.constant 0 : i32
      %dma_start3A_67 = tpu.memref_slice %arg2[%dma_start3A_65, %dma_start3A_66] : memref<102400x64xf32, #tpu.memory_space<hbm>> -> memref<102400x64xf32, #tpu.memory_space<hbm>>
      tpu.enqueue_indirect_dma source(%dma_start3A_67 : memref<102400x64xf32, #tpu.memory_space<hbm>>) target(%dma_start3A_61 : memref<128x64xf32, #tpu.memory_space<vmem>>) offsets(%dma_start3A_64 : memref<128xi32, #tpu.memory_space<vmem>>) semaphore(%arg7 : memref<!tpu.dma_semaphore, #tpu.memory_space<semaphore_mem>>)
      %mul3A_68 = arith.constant 10 : i32
      %mul3A_69 = arith.muli %scan3A_8, %mul3A_68 : i32
      %add3A_70 = arith.constant 4 : i32
      %add3A_71 = arith.addi %mul3A_69, %add3A_70 : i32
      %dma_start3A_72 = arith.constant 4 : i32
      %dma_start3A_73 = arith.constant 0 : i32
      %dma_start3A_74 = arith.constant 0 : i32
      %dma_start3A_75 = tpu.memref_slice %arg6[%dma_start3A_72, %dma_start3A_73, %dma_start3A_74] : memref<10x128x64xf32, #tpu.memory_space<vmem>> -> memref<1x128x64xf32, #tpu.memory_space<vmem>>
      %dma_start3A_76 = tpu.memref_squeeze %dma_start3A_75 : memref<1x128x64xf32, #tpu.memory_space<vmem>> -> memref<128x64xf32, #tpu.memory_space<vmem>>
      %dma_start3A_77 = arith.constant 0 : i32
      %dma_start3A_78 = tpu.memref_slice %arg5[%add3A_71, %dma_start3A_77] : memref<200x128xi32, #tpu.memory_space<vmem>> -> memref<1x128xi32, #tpu.memory_space<vmem>>
      %dma_start3A_79 = tpu.memref_squeeze %dma_start3A_78 : memref<1x128xi32, #tpu.memory_space<vmem>> -> memref<128xi32, #tpu.memory_space<vmem>>
      %dma_start3A_80 = arith.constant 0 : i32
      %dma_start3A_81 = arith.constant 0 : i32
      %dma_start3A_82 = tpu.memref_slice %arg2[%dma_start3A_80, %dma_start3A_81] : memref<102400x64xf32, #tpu.memory_space<hbm>> -> memref<102400x64xf32, #tpu.memory_space<hbm>>
      tpu.enqueue_indirect_dma source(%dma_start3A_82 : memref<102400x64xf32, #tpu.memory_space<hbm>>) target(%dma_start3A_76 : memref<128x64xf32, #tpu.memory_space<vmem>>) offsets(%dma_start3A_79 : memref<128xi32, #tpu.memory_space<vmem>>) semaphore(%arg7 : memref<!tpu.dma_semaphore, #tpu.memory_space<semaphore_mem>>)
      %mul3A_83 = arith.constant 10 : i32
      %mul3A_84 = arith.muli %scan3A_8, %mul3A_83 : i32
      %add3A_85 = arith.constant 5 : i32
      %add3A_86 = arith.addi %mul3A_84, %add3A_85 : i32
      %dma_start3A_87 = arith.constant 5 : i32
      %dma_start3A_88 = arith.constant 0 : i32
      %dma_start3A_89 = arith.constant 0 : i32
      %dma_start3A_90 = tpu.memref_slice %arg6[%dma_start3A_87, %dma_start3A_88, %dma_start3A_89] : memref<10x128x64xf32, #tpu.memory_space<vmem>> -> memref<1x128x64xf32, #tpu.memory_space<vmem>>
      %dma_start3A_91 = tpu.memref_squeeze %dma_start3A_90 : memref<1x128x64xf32, #tpu.memory_space<vmem>> -> memref<128x64xf32, #tpu.memory_space<vmem>>
      %dma_start3A_92 = arith.constant 0 : i32
      %dma_start3A_93 = tpu.memref_slice %arg5[%add3A_86, %dma_start3A_92] : memref<200x128xi32, #tpu.memory_space<vmem>> -> memref<1x128xi32, #tpu.memory_space<vmem>>
      %dma_start3A_94 = tpu.memref_squeeze %dma_start3A_93 : memref<1x128xi32, #tpu.memory_space<vmem>> -> memref<128xi32, #tpu.memory_space<vmem>>
      %dma_start3A_95 = arith.constant 0 : i32
      %dma_start3A_96 = arith.constant 0 : i32
      %dma_start3A_97 = tpu.memref_slice %arg2[%dma_start3A_95, %dma_start3A_96] : memref<102400x64xf32, #tpu.memory_space<hbm>> -> memref<102400x64xf32, #tpu.memory_space<hbm>>
      tpu.enqueue_indirect_dma source(%dma_start3A_97 : memref<102400x64xf32, #tpu.memory_space<hbm>>) target(%dma_start3A_91 : memref<128x64xf32, #tpu.memory_space<vmem>>) offsets(%dma_start3A_94 : memref<128xi32, #tpu.memory_space<vmem>>) semaphore(%arg7 : memref<!tpu.dma_semaphore, #tpu.memory_space<semaphore_mem>>)
      %mul3A_98 = arith.constant 10 : i32
      %mul3A_99 = arith.muli %scan3A_8, %mul3A_98 : i32
      %add3A_100 = arith.constant 6 : i32
      %add3A_101 = arith.addi %mul3A_99, %add3A_100 : i32
      %dma_start3A_102 = arith.constant 6 : i32
      %dma_start3A_103 = arith.constant 0 : i32
      %dma_start3A_104 = arith.constant 0 : i32
      %dma_start3A_105 = tpu.memref_slice %arg6[%dma_start3A_102, %dma_start3A_103, %dma_start3A_104] : memref<10x128x64xf32, #tpu.memory_space<vmem>> -> memref<1x128x64xf32, #tpu.memory_space<vmem>>
      %dma_start3A_106 = tpu.memref_squeeze %dma_start3A_105 : memref<1x128x64xf32, #tpu.memory_space<vmem>> -> memref<128x64xf32, #tpu.memory_space<vmem>>
      %dma_start3A_107 = arith.constant 0 : i32
      %dma_start3A_108 = tpu.memref_slice %arg5[%add3A_101, %dma_start3A_107] : memref<200x128xi32, #tpu.memory_space<vmem>> -> memref<1x128xi32, #tpu.memory_space<vmem>>
      %dma_start3A_109 = tpu.memref_squeeze %dma_start3A_108 : memref<1x128xi32, #tpu.memory_space<vmem>> -> memref<128xi32, #tpu.memory_space<vmem>>
      %dma_start3A_110 = arith.constant 0 : i32
      %dma_start3A_111 = arith.constant 0 : i32
      %dma_start3A_112 = tpu.memref_slice %arg2[%dma_start3A_110, %dma_start3A_111] : memref<102400x64xf32, #tpu.memory_space<hbm>> -> memref<102400x64xf32, #tpu.memory_space<hbm>>
      tpu.enqueue_indirect_dma source(%dma_start3A_112 : memref<102400x64xf32, #tpu.memory_space<hbm>>) target(%dma_start3A_106 : memref<128x64xf32, #tpu.memory_space<vmem>>) offsets(%dma_start3A_109 : memref<128xi32, #tpu.memory_space<vmem>>) semaphore(%arg7 : memref<!tpu.dma_semaphore, #tpu.memory_space<semaphore_mem>>)
      %mul3A_113 = arith.constant 10 : i32
      %mul3A_114 = arith.muli %scan3A_8, %mul3A_113 : i32
      %add3A_115 = arith.constant 7 : i32
      %add3A_116 = arith.addi %mul3A_114, %add3A_115 : i32
      %dma_start3A_117 = arith.constant 7 : i32
      %dma_start3A_118 = arith.constant 0 : i32
      %dma_start3A_119 = arith.constant 0 : i32
      %dma_start3A_120 = tpu.memref_slice %arg6[%dma_start3A_117, %dma_start3A_118, %dma_start3A_119] : memref<10x128x64xf32, #tpu.memory_space<vmem>> -> memref<1x128x64xf32, #tpu.memory_space<vmem>>
      %dma_start3A_121 = tpu.memref_squeeze %dma_start3A_120 : memref<1x128x64xf32, #tpu.memory_space<vmem>> -> memref<128x64xf32, #tpu.memory_space<vmem>>
      %dma_start3A_122 = arith.constant 0 : i32
      %dma_start3A_123 = tpu.memref_slice %arg5[%add3A_116, %dma_start3A_122] : memref<200x128xi32, #tpu.memory_space<vmem>> -> memref<1x128xi32, #tpu.memory_space<vmem>>
      %dma_start3A_124 = tpu.memref_squeeze %dma_start3A_123 : memref<1x128xi32, #tpu.memory_space<vmem>> -> memref<128xi32, #tpu.memory_space<vmem>>
      %dma_start3A_125 = arith.constant 0 : i32
      %dma_start3A_126 = arith.constant 0 : i32
      %dma_start3A_127 = tpu.memref_slice %arg2[%dma_start3A_125, %dma_start3A_126] : memref<102400x64xf32, #tpu.memory_space<hbm>> -> memref<102400x64xf32, #tpu.memory_space<hbm>>
      tpu.enqueue_indirect_dma source(%dma_start3A_127 : memref<102400x64xf32, #tpu.memory_space<hbm>>) target(%dma_start3A_121 : memref<128x64xf32, #tpu.memory_space<vmem>>) offsets(%dma_start3A_124 : memref<128xi32, #tpu.memory_space<vmem>>) semaphore(%arg7 : memref<!tpu.dma_semaphore, #tpu.memory_space<semaphore_mem>>)
      %mul3A_128 = arith.constant 10 : i32
      %mul3A_129 = arith.muli %scan3A_8, %mul3A_128 : i32
      %add3A_130 = arith.constant 8 : i32
      %add3A_131 = arith.addi %mul3A_129, %add3A_130 : i32
      %dma_start3A_132 = arith.constant 8 : i32
      %dma_start3A_133 = arith.constant 0 : i32
      %dma_start3A_134 = arith.constant 0 : i32
      %dma_start3A_135 = tpu.memref_slice %arg6[%dma_start3A_132, %dma_start3A_133, %dma_start3A_134] : memref<10x128x64xf32, #tpu.memory_space<vmem>> -> memref<1x128x64xf32, #tpu.memory_space<vmem>>
      %dma_start3A_136 = tpu.memref_squeeze %dma_start3A_135 : memref<1x128x64xf32, #tpu.memory_space<vmem>> -> memref<128x64xf32, #tpu.memory_space<vmem>>
      %dma_start3A_137 = arith.constant 0 : i32
      %dma_start3A_138 = tpu.memref_slice %arg5[%add3A_131, %dma_start3A_137] : memref<200x128xi32, #tpu.memory_space<vmem>> -> memref<1x128xi32, #tpu.memory_space<vmem>>
      %dma_start3A_139 = tpu.memref_squeeze %dma_start3A_138 : memref<1x128xi32, #tpu.memory_space<vmem>> -> memref<128xi32, #tpu.memory_space<vmem>>
      %dma_start3A_140 = arith.constant 0 : i32
      %dma_start3A_141 = arith.constant 0 : i32
      %dma_start3A_142 = tpu.memref_slice %arg2[%dma_start3A_140, %dma_start3A_141] : memref<102400x64xf32, #tpu.memory_space<hbm>> -> memref<102400x64xf32, #tpu.memory_space<hbm>>
      tpu.enqueue_indirect_dma source(%dma_start3A_142 : memref<102400x64xf32, #tpu.memory_space<hbm>>) target(%dma_start3A_136 : memref<128x64xf32, #tpu.memory_space<vmem>>) offsets(%dma_start3A_139 : memref<128xi32, #tpu.memory_space<vmem>>) semaphore(%arg7 : memref<!tpu.dma_semaphore, #tpu.memory_space<semaphore_mem>>)
      %mul3A_143 = arith.constant 10 : i32
      %mul3A_144 = arith.muli %scan3A_8, %mul3A_143 : i32
      %add3A_145 = arith.constant 9 : i32
      %add3A_146 = arith.addi %mul3A_144, %add3A_145 : i32
      %dma_start3A_147 = arith.constant 9 : i32
      %dma_start3A_148 = arith.constant 0 : i32
      %dma_start3A_149 = arith.constant 0 : i32
      %dma_start3A_150 = tpu.memref_slice %arg6[%dma_start3A_147, %dma_start3A_148, %dma_start3A_149] : memref<10x128x64xf32, #tpu.memory_space<vmem>> -> memref<1x128x64xf32, #tpu.memory_space<vmem>>
      %dma_start3A_151 = tpu.memref_squeeze %dma_start3A_150 : memref<1x128x64xf32, #tpu.memory_space<vmem>> -> memref<128x64xf32, #tpu.memory_space<vmem>>
      %dma_start3A_152 = arith.constant 0 : i32
      %dma_start3A_153 = tpu.memref_slice %arg5[%add3A_146, %dma_start3A_152] : memref<200x128xi32, #tpu.memory_space<vmem>> -> memref<1x128xi32, #tpu.memory_space<vmem>>
      %dma_start3A_154 = tpu.memref_squeeze %dma_start3A_153 : memref<1x128xi32, #tpu.memory_space<vmem>> -> memref<128xi32, #tpu.memory_space<vmem>>
      %dma_start3A_155 = arith.constant 0 : i32
      %dma_start3A_156 = arith.constant 0 : i32
      %dma_start3A_157 = tpu.memref_slice %arg2[%dma_start3A_155, %dma_start3A_156] : memref<102400x64xf32, #tpu.memory_space<hbm>> -> memref<102400x64xf32, #tpu.memory_space<hbm>>
      tpu.enqueue_indirect_dma source(%dma_start3A_157 : memref<102400x64xf32, #tpu.memory_space<hbm>>) target(%dma_start3A_151 : memref<128x64xf32, #tpu.memory_space<vmem>>) offsets(%dma_start3A_154 : memref<128xi32, #tpu.memory_space<vmem>>) semaphore(%arg7 : memref<!tpu.dma_semaphore, #tpu.memory_space<semaphore_mem>>)
      %dma_wait3A = arith.constant 0 : i32
      %dma_wait3A_158 = arith.constant 0 : i32
      %dma_wait3A_159 = arith.constant 0 : i32
      %dma_wait3A_160 = tpu.memref_slice %arg6[%dma_wait3A, %dma_wait3A_158, %dma_wait3A_159] : memref<10x128x64xf32, #tpu.memory_space<vmem>> -> memref<1x128x64xf32, #tpu.memory_space<vmem>>
      %dma_wait3A_161 = tpu.memref_squeeze %dma_wait3A_160 : memref<1x128x64xf32, #tpu.memory_space<vmem>> -> memref<128x64xf32, #tpu.memory_space<vmem>>
      %dma_wait3A_162 = arith.constant 0 : i32
      %dma_wait3A_163 = tpu.memref_slice %arg5[%add3A_12, %dma_wait3A_162] : memref<200x128xi32, #tpu.memory_space<vmem>> -> memref<1x128xi32, #tpu.memory_space<vmem>>
      %dma_wait3A_164 = tpu.memref_squeeze %dma_wait3A_163 : memref<1x128xi32, #tpu.memory_space<vmem>> -> memref<128xi32, #tpu.memory_space<vmem>>
      %dma_wait3A_165 = arith.constant 0 : i32
      %dma_wait3A_166 = arith.constant 0 : i32
      %dma_wait3A_167 = tpu.memref_slice %arg2[%dma_wait3A_165, %dma_wait3A_166] : memref<102400x64xf32, #tpu.memory_space<hbm>> -> memref<102400x64xf32, #tpu.memory_space<hbm>>
      tpu.wait_indirect_dma semaphore(%arg7 : memref<!tpu.dma_semaphore, #tpu.memory_space<semaphore_mem>>) src(%dma_wait3A_167 : memref<102400x64xf32, #tpu.memory_space<hbm>>) dst(%dma_wait3A_161 : memref<128x64xf32, #tpu.memory_space<vmem>>)
      %dma_wait3A_168 = arith.constant 1 : i32
      %dma_wait3A_169 = arith.constant 0 : i32
      %dma_wait3A_170 = arith.constant 0 : i32
      %dma_wait3A_171 = tpu.memref_slice %arg6[%dma_wait3A_168, %dma_wait3A_169, %dma_wait3A_170] : memref<10x128x64xf32, #tpu.memory_space<vmem>> -> memref<1x128x64xf32, #tpu.memory_space<vmem>>
      %dma_wait3A_172 = tpu.memref_squeeze %dma_wait3A_171 : memref<1x128x64xf32, #tpu.memory_space<vmem>> -> memref<128x64xf32, #tpu.memory_space<vmem>>
      %dma_wait3A_173 = arith.constant 0 : i32
      %dma_wait3A_174 = tpu.memref_slice %arg5[%add3A_26, %dma_wait3A_173] : memref<200x128xi32, #tpu.memory_space<vmem>> -> memref<1x128xi32, #tpu.memory_space<vmem>>
      %dma_wait3A_175 = tpu.memref_squeeze %dma_wait3A_174 : memref<1x128xi32, #tpu.memory_space<vmem>> -> memref<128xi32, #tpu.memory_space<vmem>>
      %dma_wait3A_176 = arith.constant 0 : i32
      %dma_wait3A_177 = arith.constant 0 : i32
      %dma_wait3A_178 = tpu.memref_slice %arg2[%dma_wait3A_176, %dma_wait3A_177] : memref<102400x64xf32, #tpu.memory_space<hbm>> -> memref<102400x64xf32, #tpu.memory_space<hbm>>
      tpu.wait_indirect_dma semaphore(%arg7 : memref<!tpu.dma_semaphore, #tpu.memory_space<semaphore_mem>>) src(%dma_wait3A_178 : memref<102400x64xf32, #tpu.memory_space<hbm>>) dst(%dma_wait3A_172 : memref<128x64xf32, #tpu.memory_space<vmem>>)
      %dma_wait3A_179 = arith.constant 2 : i32
      %dma_wait3A_180 = arith.constant 0 : i32
      %dma_wait3A_181 = arith.constant 0 : i32
      %dma_wait3A_182 = tpu.memref_slice %arg6[%dma_wait3A_179, %dma_wait3A_180, %dma_wait3A_181] : memref<10x128x64xf32, #tpu.memory_space<vmem>> -> memref<1x128x64xf32, #tpu.memory_space<vmem>>
      %dma_wait3A_183 = tpu.memref_squeeze %dma_wait3A_182 : memref<1x128x64xf32, #tpu.memory_space<vmem>> -> memref<128x64xf32, #tpu.memory_space<vmem>>
      %dma_wait3A_184 = arith.constant 0 : i32
      %dma_wait3A_185 = tpu.memref_slice %arg5[%add3A_41, %dma_wait3A_184] : memref<200x128xi32, #tpu.memory_space<vmem>> -> memref<1x128xi32, #tpu.memory_space<vmem>>
      %dma_wait3A_186 = tpu.memref_squeeze %dma_wait3A_185 : memref<1x128xi32, #tpu.memory_space<vmem>> -> memref<128xi32, #tpu.memory_space<vmem>>
      %dma_wait3A_187 = arith.constant 0 : i32
      %dma_wait3A_188 = arith.constant 0 : i32
      %dma_wait3A_189 = tpu.memref_slice %arg2[%dma_wait3A_187, %dma_wait3A_188] : memref<102400x64xf32, #tpu.memory_space<hbm>> -> memref<102400x64xf32, #tpu.memory_space<hbm>>
      tpu.wait_indirect_dma semaphore(%arg7 : memref<!tpu.dma_semaphore, #tpu.memory_space<semaphore_mem>>) src(%dma_wait3A_189 : memref<102400x64xf32, #tpu.memory_space<hbm>>) dst(%dma_wait3A_183 : memref<128x64xf32, #tpu.memory_space<vmem>>)
      %dma_wait3A_190 = arith.constant 3 : i32
      %dma_wait3A_191 = arith.constant 0 : i32
      %dma_wait3A_192 = arith.constant 0 : i32
      %dma_wait3A_193 = tpu.memref_slice %arg6[%dma_wait3A_190, %dma_wait3A_191, %dma_wait3A_192] : memref<10x128x64xf32, #tpu.memory_space<vmem>> -> memref<1x128x64xf32, #tpu.memory_space<vmem>>
      %dma_wait3A_194 = tpu.memref_squeeze %dma_wait3A_193 : memref<1x128x64xf32, #tpu.memory_space<vmem>> -> memref<128x64xf32, #tpu.memory_space<vmem>>
      %dma_wait3A_195 = arith.constant 0 : i32
      %dma_wait3A_196 = tpu.memref_slice %arg5[%add3A_56, %dma_wait3A_195] : memref<200x128xi32, #tpu.memory_space<vmem>> -> memref<1x128xi32, #tpu.memory_space<vmem>>
      %dma_wait3A_197 = tpu.memref_squeeze %dma_wait3A_196 : memref<1x128xi32, #tpu.memory_space<vmem>> -> memref<128xi32, #tpu.memory_space<vmem>>
      %dma_wait3A_198 = arith.constant 0 : i32
      %dma_wait3A_199 = arith.constant 0 : i32
      %dma_wait3A_200 = tpu.memref_slice %arg2[%dma_wait3A_198, %dma_wait3A_199] : memref<102400x64xf32, #tpu.memory_space<hbm>> -> memref<102400x64xf32, #tpu.memory_space<hbm>>
      tpu.wait_indirect_dma semaphore(%arg7 : memref<!tpu.dma_semaphore, #tpu.memory_space<semaphore_mem>>) src(%dma_wait3A_200 : memref<102400x64xf32, #tpu.memory_space<hbm>>) dst(%dma_wait3A_194 : memref<128x64xf32, #tpu.memory_space<vmem>>)
      %dma_wait3A_201 = arith.constant 4 : i32
      %dma_wait3A_202 = arith.constant 0 : i32
      %dma_wait3A_203 = arith.constant 0 : i32
      %dma_wait3A_204 = tpu.memref_slice %arg6[%dma_wait3A_201, %dma_wait3A_202, %dma_wait3A_203] : memref<10x128x64xf32, #tpu.memory_space<vmem>> -> memref<1x128x64xf32, #tpu.memory_space<vmem>>
      %dma_wait3A_205 = tpu.memref_squeeze %dma_wait3A_204 : memref<1x128x64xf32, #tpu.memory_space<vmem>> -> memref<128x64xf32, #tpu.memory_space<vmem>>
      %dma_wait3A_206 = arith.constant 0 : i32
      %dma_wait3A_207 = tpu.memref_slice %arg5[%add3A_71, %dma_wait3A_206] : memref<200x128xi32, #tpu.memory_space<vmem>> -> memref<1x128xi32, #tpu.memory_space<vmem>>
      %dma_wait3A_208 = tpu.memref_squeeze %dma_wait3A_207 : memref<1x128xi32, #tpu.memory_space<vmem>> -> memref<128xi32, #tpu.memory_space<vmem>>
      %dma_wait3A_209 = arith.constant 0 : i32
      %dma_wait3A_210 = arith.constant 0 : i32
      %dma_wait3A_211 = tpu.memref_slice %arg2[%dma_wait3A_209, %dma_wait3A_210] : memref<102400x64xf32, #tpu.memory_space<hbm>> -> memref<102400x64xf32, #tpu.memory_space<hbm>>
      tpu.wait_indirect_dma semaphore(%arg7 : memref<!tpu.dma_semaphore, #tpu.memory_space<semaphore_mem>>) src(%dma_wait3A_211 : memref<102400x64xf32, #tpu.memory_space<hbm>>) dst(%dma_wait3A_205 : memref<128x64xf32, #tpu.memory_space<vmem>>)
      %dma_wait3A_212 = arith.constant 5 : i32
      %dma_wait3A_213 = arith.constant 0 : i32
      %dma_wait3A_214 = arith.constant 0 : i32
      %dma_wait3A_215 = tpu.memref_slice %arg6[%dma_wait3A_212, %dma_wait3A_213, %dma_wait3A_214] : memref<10x128x64xf32, #tpu.memory_space<vmem>> -> memref<1x128x64xf32, #tpu.memory_space<vmem>>
      %dma_wait3A_216 = tpu.memref_squeeze %dma_wait3A_215 : memref<1x128x64xf32, #tpu.memory_space<vmem>> -> memref<128x64xf32, #tpu.memory_space<vmem>>
      %dma_wait3A_217 = arith.constant 0 : i32
      %dma_wait3A_218 = tpu.memref_slice %arg5[%add3A_86, %dma_wait3A_217] : memref<200x128xi32, #tpu.memory_space<vmem>> -> memref<1x128xi32, #tpu.memory_space<vmem>>
      %dma_wait3A_219 = tpu.memref_squeeze %dma_wait3A_218 : memref<1x128xi32, #tpu.memory_space<vmem>> -> memref<128xi32, #tpu.memory_space<vmem>>
      %dma_wait3A_220 = arith.constant 0 : i32
      %dma_wait3A_221 = arith.constant 0 : i32
      %dma_wait3A_222 = tpu.memref_slice %arg2[%dma_wait3A_220, %dma_wait3A_221] : memref<102400x64xf32, #tpu.memory_space<hbm>> -> memref<102400x64xf32, #tpu.memory_space<hbm>>
      tpu.wait_indirect_dma semaphore(%arg7 : memref<!tpu.dma_semaphore, #tpu.memory_space<semaphore_mem>>) src(%dma_wait3A_222 : memref<102400x64xf32, #tpu.memory_space<hbm>>) dst(%dma_wait3A_216 : memref<128x64xf32, #tpu.memory_space<vmem>>)
      %dma_wait3A_223 = arith.constant 6 : i32
      %dma_wait3A_224 = arith.constant 0 : i32
      %dma_wait3A_225 = arith.constant 0 : i32
      %dma_wait3A_226 = tpu.memref_slice %arg6[%dma_wait3A_223, %dma_wait3A_224, %dma_wait3A_225] : memref<10x128x64xf32, #tpu.memory_space<vmem>> -> memref<1x128x64xf32, #tpu.memory_space<vmem>>
      %dma_wait3A_227 = tpu.memref_squeeze %dma_wait3A_226 : memref<1x128x64xf32, #tpu.memory_space<vmem>> -> memref<128x64xf32, #tpu.memory_space<vmem>>
      %dma_wait3A_228 = arith.constant 0 : i32
      %dma_wait3A_229 = tpu.memref_slice %arg5[%add3A_101, %dma_wait3A_228] : memref<200x128xi32, #tpu.memory_space<vmem>> -> memref<1x128xi32, #tpu.memory_space<vmem>>
      %dma_wait3A_230 = tpu.memref_squeeze %dma_wait3A_229 : memref<1x128xi32, #tpu.memory_space<vmem>> -> memref<128xi32, #tpu.memory_space<vmem>>
      %dma_wait3A_231 = arith.constant 0 : i32
      %dma_wait3A_232 = arith.constant 0 : i32
      %dma_wait3A_233 = tpu.memref_slice %arg2[%dma_wait3A_231, %dma_wait3A_232] : memref<102400x64xf32, #tpu.memory_space<hbm>> -> memref<102400x64xf32, #tpu.memory_space<hbm>>
      tpu.wait_indirect_dma semaphore(%arg7 : memref<!tpu.dma_semaphore, #tpu.memory_space<semaphore_mem>>) src(%dma_wait3A_233 : memref<102400x64xf32, #tpu.memory_space<hbm>>) dst(%dma_wait3A_227 : memref<128x64xf32, #tpu.memory_space<vmem>>)
      %dma_wait3A_234 = arith.constant 7 : i32
      %dma_wait3A_235 = arith.constant 0 : i32
      %dma_wait3A_236 = arith.constant 0 : i32
      %dma_wait3A_237 = tpu.memref_slice %arg6[%dma_wait3A_234, %dma_wait3A_235, %dma_wait3A_236] : memref<10x128x64xf32, #tpu.memory_space<vmem>> -> memref<1x128x64xf32, #tpu.memory_space<vmem>>
      %dma_wait3A_238 = tpu.memref_squeeze %dma_wait3A_237 : memref<1x128x64xf32, #tpu.memory_space<vmem>> -> memref<128x64xf32, #tpu.memory_space<vmem>>
      %dma_wait3A_239 = arith.constant 0 : i32
      %dma_wait3A_240 = tpu.memref_slice %arg5[%add3A_116, %dma_wait3A_239] : memref<200x128xi32, #tpu.memory_space<vmem>> -> memref<1x128xi32, #tpu.memory_space<vmem>>
      %dma_wait3A_241 = tpu.memref_squeeze %dma_wait3A_240 : memref<1x128xi32, #tpu.memory_space<vmem>> -> memref<128xi32, #tpu.memory_space<vmem>>
      %dma_wait3A_242 = arith.constant 0 : i32
      %dma_wait3A_243 = arith.constant 0 : i32
      %dma_wait3A_244 = tpu.memref_slice %arg2[%dma_wait3A_242, %dma_wait3A_243] : memref<102400x64xf32, #tpu.memory_space<hbm>> -> memref<102400x64xf32, #tpu.memory_space<hbm>>
      tpu.wait_indirect_dma semaphore(%arg7 : memref<!tpu.dma_semaphore, #tpu.memory_space<semaphore_mem>>) src(%dma_wait3A_244 : memref<102400x64xf32, #tpu.memory_space<hbm>>) dst(%dma_wait3A_238 : memref<128x64xf32, #tpu.memory_space<vmem>>)
      %dma_wait3A_245 = arith.constant 8 : i32
      %dma_wait3A_246 = arith.constant 0 : i32
      %dma_wait3A_247 = arith.constant 0 : i32
      %dma_wait3A_248 = tpu.memref_slice %arg6[%dma_wait3A_245, %dma_wait3A_246, %dma_wait3A_247] : memref<10x128x64xf32, #tpu.memory_space<vmem>> -> memref<1x128x64xf32, #tpu.memory_space<vmem>>
      %dma_wait3A_249 = tpu.memref_squeeze %dma_wait3A_248 : memref<1x128x64xf32, #tpu.memory_space<vmem>> -> memref<128x64xf32, #tpu.memory_space<vmem>>
      %dma_wait3A_250 = arith.constant 0 : i32
      %dma_wait3A_251 = tpu.memref_slice %arg5[%add3A_131, %dma_wait3A_250] : memref<200x128xi32, #tpu.memory_space<vmem>> -> memref<1x128xi32, #tpu.memory_space<vmem>>
      %dma_wait3A_252 = tpu.memref_squeeze %dma_wait3A_251 : memref<1x128xi32, #tpu.memory_space<vmem>> -> memref<128xi32, #tpu.memory_space<vmem>>
      %dma_wait3A_253 = arith.constant 0 : i32
      %dma_wait3A_254 = arith.constant 0 : i32
      %dma_wait3A_255 = tpu.memref_slice %arg2[%dma_wait3A_253, %dma_wait3A_254] : memref<102400x64xf32, #tpu.memory_space<hbm>> -> memref<102400x64xf32, #tpu.memory_space<hbm>>
      tpu.wait_indirect_dma semaphore(%arg7 : memref<!tpu.dma_semaphore, #tpu.memory_space<semaphore_mem>>) src(%dma_wait3A_255 : memref<102400x64xf32, #tpu.memory_space<hbm>>) dst(%dma_wait3A_249 : memref<128x64xf32, #tpu.memory_space<vmem>>)
      %dma_wait3A_256 = arith.constant 9 : i32
      %dma_wait3A_257 = arith.constant 0 : i32
      %dma_wait3A_258 = arith.constant 0 : i32
      %dma_wait3A_259 = tpu.memref_slice %arg6[%dma_wait3A_256, %dma_wait3A_257, %dma_wait3A_258] : memref<10x128x64xf32, #tpu.memory_space<vmem>> -> memref<1x128x64xf32, #tpu.memory_space<vmem>>
      %dma_wait3A_260 = tpu.memref_squeeze %dma_wait3A_259 : memref<1x128x64xf32, #tpu.memory_space<vmem>> -> memref<128x64xf32, #tpu.memory_space<vmem>>
      %dma_wait3A_261 = arith.constant 0 : i32
      %dma_wait3A_262 = tpu.memref_slice %arg5[%add3A_146, %dma_wait3A_261] : memref<200x128xi32, #tpu.memory_space<vmem>> -> memref<1x128xi32, #tpu.memory_space<vmem>>
      %dma_wait3A_263 = tpu.memref_squeeze %dma_wait3A_262 : memref<1x128xi32, #tpu.memory_space<vmem>> -> memref<128xi32, #tpu.memory_space<vmem>>
      %dma_wait3A_264 = arith.constant 0 : i32
      %dma_wait3A_265 = arith.constant 0 : i32
      %dma_wait3A_266 = tpu.memref_slice %arg2[%dma_wait3A_264, %dma_wait3A_265] : memref<102400x64xf32, #tpu.memory_space<hbm>> -> memref<102400x64xf32, #tpu.memory_space<hbm>>
      tpu.wait_indirect_dma semaphore(%arg7 : memref<!tpu.dma_semaphore, #tpu.memory_space<semaphore_mem>>) src(%dma_wait3A_266 : memref<102400x64xf32, #tpu.memory_space<hbm>>) dst(%dma_wait3A_260 : memref<128x64xf32, #tpu.memory_space<vmem>>)
      %mul3A_267 = arith.constant 10 : i32
      %mul3A_268 = arith.muli %scan3A_8, %mul3A_267 : i32
      %add3A_269 = arith.constant 0 : i32
      %add3A_270 = arith.addi %mul3A_268, %add3A_269 : i32
      %dma_start3A_271 = arith.constant 0 : i32
      %dma_start3A_272 = arith.constant 0 : i32
      %dma_start3A_273 = arith.constant 0 : i32
      %dma_start3A_274 = tpu.memref_slice %arg6[%dma_start3A_271, %dma_start3A_272, %dma_start3A_273] : memref<10x128x64xf32, #tpu.memory_space<vmem>> -> memref<1x128x64xf32, #tpu.memory_space<vmem>>
      %dma_start3A_275 = tpu.memref_squeeze %dma_start3A_274 : memref<1x128x64xf32, #tpu.memory_space<vmem>> -> memref<128x64xf32, #tpu.memory_space<vmem>>
      %dma_start3A_276 = arith.constant 0 : i32
      %dma_start3A_277 = tpu.memref_slice %arg4[%add3A_270, %mul3A_2, %dma_start3A_276] : memref<200x4096x128xf32, #tpu.memory_space<hbm>> -> memref<1x128x64xf32, #tpu.memory_space<hbm>>
      %dma_start3A_278 = tpu.memref_squeeze %dma_start3A_277 : memref<1x128x64xf32, #tpu.memory_space<hbm>> -> memref<128x64xf32, #tpu.memory_space<hbm>>
      %dma_start3A_279 = arith.constant 0 : i32
      %dma_start3A_280 = tpu.memref_slice %arg4[%add3A_270, %mul3A_2, %dma_start3A_279] : memref<200x4096x128xf32, #tpu.memory_space<hbm>> -> memref<1x128x64xf32, #tpu.memory_space<hbm>>
      %dma_start3A_281 = tpu.memref_squeeze %dma_start3A_280 : memref<1x128x64xf32, #tpu.memory_space<hbm>> -> memref<128x64xf32, #tpu.memory_space<hbm>>
      %dma_start3A_282 = arith.constant 0 : i32
      %dma_start3A_283 = arith.constant 0 : i32
      %dma_start3A_284 = tpu.memref_slice %arg6[%dma_start3A_271, %dma_start3A_282, %dma_start3A_283] : memref<10x128x64xf32, #tpu.memory_space<vmem>> -> memref<1x128x64xf32, #tpu.memory_space<vmem>>
      %dma_start3A_285 = tpu.memref_squeeze %dma_start3A_284 : memref<1x128x64xf32, #tpu.memory_space<vmem>> -> memref<128x64xf32, #tpu.memory_space<vmem>>
      tpu.enqueue_dma source(%dma_start3A_285 : memref<128x64xf32, #tpu.memory_space<vmem>>) target(%dma_start3A_281 : memref<128x64xf32, #tpu.memory_space<hbm>>) target_semaphore(%arg8 : memref<!tpu.dma_semaphore, #tpu.memory_space<semaphore_mem>>)
      %mul3A_286 = arith.constant 10 : i32
      %mul3A_287 = arith.muli %scan3A_8, %mul3A_286 : i32
      %add3A_288 = arith.constant 1 : i32
      %add3A_289 = arith.addi %mul3A_287, %add3A_288 : i32
      %dma_start3A_290 = arith.constant 1 : i32
      %dma_start3A_291 = arith.constant 0 : i32
      %dma_start3A_292 = arith.constant 0 : i32
      %dma_start3A_293 = tpu.memref_slice %arg6[%dma_start3A_290, %dma_start3A_291, %dma_start3A_292] : memref<10x128x64xf32, #tpu.memory_space<vmem>> -> memref<1x128x64xf32, #tpu.memory_space<vmem>>
      %dma_start3A_294 = tpu.memref_squeeze %dma_start3A_293 : memref<1x128x64xf32, #tpu.memory_space<vmem>> -> memref<128x64xf32, #tpu.memory_space<vmem>>
      %dma_start3A_295 = arith.constant 0 : i32
      %dma_start3A_296 = tpu.memref_slice %arg4[%add3A_289, %mul3A_2, %dma_start3A_295] : memref<200x4096x128xf32, #tpu.memory_space<hbm>> -> memref<1x128x64xf32, #tpu.memory_space<hbm>>
      %dma_start3A_297 = tpu.memref_squeeze %dma_start3A_296 : memref<1x128x64xf32, #tpu.memory_space<hbm>> -> memref<128x64xf32, #tpu.memory_space<hbm>>
      %dma_start3A_298 = arith.constant 0 : i32
      %dma_start3A_299 = tpu.memref_slice %arg4[%add3A_289, %mul3A_2, %dma_start3A_298] : memref<200x4096x128xf32, #tpu.memory_space<hbm>> -> memref<1x128x64xf32, #tpu.memory_space<hbm>>
      %dma_start3A_300 = tpu.memref_squeeze %dma_start3A_299 : memref<1x128x64xf32, #tpu.memory_space<hbm>> -> memref<128x64xf32, #tpu.memory_space<hbm>>
      %dma_start3A_301 = arith.constant 0 : i32
      %dma_start3A_302 = arith.constant 0 : i32
      %dma_start3A_303 = tpu.memref_slice %arg6[%dma_start3A_290, %dma_start3A_301, %dma_start3A_302] : memref<10x128x64xf32, #tpu.memory_space<vmem>> -> memref<1x128x64xf32, #tpu.memory_space<vmem>>
      %dma_start3A_304 = tpu.memref_squeeze %dma_start3A_303 : memref<1x128x64xf32, #tpu.memory_space<vmem>> -> memref<128x64xf32, #tpu.memory_space<vmem>>
      tpu.enqueue_dma source(%dma_start3A_304 : memref<128x64xf32, #tpu.memory_space<vmem>>) target(%dma_start3A_300 : memref<128x64xf32, #tpu.memory_space<hbm>>) target_semaphore(%arg8 : memref<!tpu.dma_semaphore, #tpu.memory_space<semaphore_mem>>)
      %mul3A_305 = arith.constant 10 : i32
      %mul3A_306 = arith.muli %scan3A_8, %mul3A_305 : i32
      %add3A_307 = arith.constant 2 : i32
      %add3A_308 = arith.addi %mul3A_306, %add3A_307 : i32
      %dma_start3A_309 = arith.constant 2 : i32
      %dma_start3A_310 = arith.constant 0 : i32
      %dma_start3A_311 = arith.constant 0 : i32
      %dma_start3A_312 = tpu.memref_slice %arg6[%dma_start3A_309, %dma_start3A_310, %dma_start3A_311] : memref<10x128x64xf32, #tpu.memory_space<vmem>> -> memref<1x128x64xf32, #tpu.memory_space<vmem>>
      %dma_start3A_313 = tpu.memref_squeeze %dma_start3A_312 : memref<1x128x64xf32, #tpu.memory_space<vmem>> -> memref<128x64xf32, #tpu.memory_space<vmem>>
      %dma_start3A_314 = arith.constant 0 : i32
      %dma_start3A_315 = tpu.memref_slice %arg4[%add3A_308, %mul3A_2, %dma_start3A_314] : memref<200x4096x128xf32, #tpu.memory_space<hbm>> -> memref<1x128x64xf32, #tpu.memory_space<hbm>>
      %dma_start3A_316 = tpu.memref_squeeze %dma_start3A_315 : memref<1x128x64xf32, #tpu.memory_space<hbm>> -> memref<128x64xf32, #tpu.memory_space<hbm>>
      %dma_start3A_317 = arith.constant 0 : i32
      %dma_start3A_318 = tpu.memref_slice %arg4[%add3A_308, %mul3A_2, %dma_start3A_317] : memref<200x4096x128xf32, #tpu.memory_space<hbm>> -> memref<1x128x64xf32, #tpu.memory_space<hbm>>
      %dma_start3A_319 = tpu.memref_squeeze %dma_start3A_318 : memref<1x128x64xf32, #tpu.memory_space<hbm>> -> memref<128x64xf32, #tpu.memory_space<hbm>>
      %dma_start3A_320 = arith.constant 0 : i32
      %dma_start3A_321 = arith.constant 0 : i32
      %dma_start3A_322 = tpu.memref_slice %arg6[%dma_start3A_309, %dma_start3A_320, %dma_start3A_321] : memref<10x128x64xf32, #tpu.memory_space<vmem>> -> memref<1x128x64xf32, #tpu.memory_space<vmem>>
      %dma_start3A_323 = tpu.memref_squeeze %dma_start3A_322 : memref<1x128x64xf32, #tpu.memory_space<vmem>> -> memref<128x64xf32, #tpu.memory_space<vmem>>
      tpu.enqueue_dma source(%dma_start3A_323 : memref<128x64xf32, #tpu.memory_space<vmem>>) target(%dma_start3A_319 : memref<128x64xf32, #tpu.memory_space<hbm>>) target_semaphore(%arg8 : memref<!tpu.dma_semaphore, #tpu.memory_space<semaphore_mem>>)
      %mul3A_324 = arith.constant 10 : i32
      %mul3A_325 = arith.muli %scan3A_8, %mul3A_324 : i32
      %add3A_326 = arith.constant 3 : i32
      %add3A_327 = arith.addi %mul3A_325, %add3A_326 : i32
      %dma_start3A_328 = arith.constant 3 : i32
      %dma_start3A_329 = arith.constant 0 : i32
      %dma_start3A_330 = arith.constant 0 : i32
      %dma_start3A_331 = tpu.memref_slice %arg6[%dma_start3A_328, %dma_start3A_329, %dma_start3A_330] : memref<10x128x64xf32, #tpu.memory_space<vmem>> -> memref<1x128x64xf32, #tpu.memory_space<vmem>>
      %dma_start3A_332 = tpu.memref_squeeze %dma_start3A_331 : memref<1x128x64xf32, #tpu.memory_space<vmem>> -> memref<128x64xf32, #tpu.memory_space<vmem>>
      %dma_start3A_333 = arith.constant 0 : i32
      %dma_start3A_334 = tpu.memref_slice %arg4[%add3A_327, %mul3A_2, %dma_start3A_333] : memref<200x4096x128xf32, #tpu.memory_space<hbm>> -> memref<1x128x64xf32, #tpu.memory_space<hbm>>
      %dma_start3A_335 = tpu.memref_squeeze %dma_start3A_334 : memref<1x128x64xf32, #tpu.memory_space<hbm>> -> memref<128x64xf32, #tpu.memory_space<hbm>>
      %dma_start3A_336 = arith.constant 0 : i32
      %dma_start3A_337 = tpu.memref_slice %arg4[%add3A_327, %mul3A_2, %dma_start3A_336] : memref<200x4096x128xf32, #tpu.memory_space<hbm>> -> memref<1x128x64xf32, #tpu.memory_space<hbm>>
      %dma_start3A_338 = tpu.memref_squeeze %dma_start3A_337 : memref<1x128x64xf32, #tpu.memory_space<hbm>> -> memref<128x64xf32, #tpu.memory_space<hbm>>
      %dma_start3A_339 = arith.constant 0 : i32
      %dma_start3A_340 = arith.constant 0 : i32
      %dma_start3A_341 = tpu.memref_slice %arg6[%dma_start3A_328, %dma_start3A_339, %dma_start3A_340] : memref<10x128x64xf32, #tpu.memory_space<vmem>> -> memref<1x128x64xf32, #tpu.memory_space<vmem>>
      %dma_start3A_342 = tpu.memref_squeeze %dma_start3A_341 : memref<1x128x64xf32, #tpu.memory_space<vmem>> -> memref<128x64xf32, #tpu.memory_space<vmem>>
      tpu.enqueue_dma source(%dma_start3A_342 : memref<128x64xf32, #tpu.memory_space<vmem>>) target(%dma_start3A_338 : memref<128x64xf32, #tpu.memory_space<hbm>>) target_semaphore(%arg8 : memref<!tpu.dma_semaphore, #tpu.memory_space<semaphore_mem>>)
      %mul3A_343 = arith.constant 10 : i32
      %mul3A_344 = arith.muli %scan3A_8, %mul3A_343 : i32
      %add3A_345 = arith.constant 4 : i32
      %add3A_346 = arith.addi %mul3A_344, %add3A_345 : i32
      %dma_start3A_347 = arith.constant 4 : i32
      %dma_start3A_348 = arith.constant 0 : i32
      %dma_start3A_349 = arith.constant 0 : i32
      %dma_start3A_350 = tpu.memref_slice %arg6[%dma_start3A_347, %dma_start3A_348, %dma_start3A_349] : memref<10x128x64xf32, #tpu.memory_space<vmem>> -> memref<1x128x64xf32, #tpu.memory_space<vmem>>
      %dma_start3A_351 = tpu.memref_squeeze %dma_start3A_350 : memref<1x128x64xf32, #tpu.memory_space<vmem>> -> memref<128x64xf32, #tpu.memory_space<vmem>>
      %dma_start3A_352 = arith.constant 0 : i32
      %dma_start3A_353 = tpu.memref_slice %arg4[%add3A_346, %mul3A_2, %dma_start3A_352] : memref<200x4096x128xf32, #tpu.memory_space<hbm>> -> memref<1x128x64xf32, #tpu.memory_space<hbm>>
      %dma_start3A_354 = tpu.memref_squeeze %dma_start3A_353 : memref<1x128x64xf32, #tpu.memory_space<hbm>> -> memref<128x64xf32, #tpu.memory_space<hbm>>
      %dma_start3A_355 = arith.constant 0 : i32
      %dma_start3A_356 = tpu.memref_slice %arg4[%add3A_346, %mul3A_2, %dma_start3A_355] : memref<200x4096x128xf32, #tpu.memory_space<hbm>> -> memref<1x128x64xf32, #tpu.memory_space<hbm>>
      %dma_start3A_357 = tpu.memref_squeeze %dma_start3A_356 : memref<1x128x64xf32, #tpu.memory_space<hbm>> -> memref<128x64xf32, #tpu.memory_space<hbm>>
      %dma_start3A_358 = arith.constant 0 : i32
      %dma_start3A_359 = arith.constant 0 : i32
      %dma_start3A_360 = tpu.memref_slice %arg6[%dma_start3A_347, %dma_start3A_358, %dma_start3A_359] : memref<10x128x64xf32, #tpu.memory_space<vmem>> -> memref<1x128x64xf32, #tpu.memory_space<vmem>>
      %dma_start3A_361 = tpu.memref_squeeze %dma_start3A_360 : memref<1x128x64xf32, #tpu.memory_space<vmem>> -> memref<128x64xf32, #tpu.memory_space<vmem>>
      tpu.enqueue_dma source(%dma_start3A_361 : memref<128x64xf32, #tpu.memory_space<vmem>>) target(%dma_start3A_357 : memref<128x64xf32, #tpu.memory_space<hbm>>) target_semaphore(%arg8 : memref<!tpu.dma_semaphore, #tpu.memory_space<semaphore_mem>>)
      %mul3A_362 = arith.constant 10 : i32
      %mul3A_363 = arith.muli %scan3A_8, %mul3A_362 : i32
      %add3A_364 = arith.constant 5 : i32
      %add3A_365 = arith.addi %mul3A_363, %add3A_364 : i32
      %dma_start3A_366 = arith.constant 5 : i32
      %dma_start3A_367 = arith.constant 0 : i32
      %dma_start3A_368 = arith.constant 0 : i32
      %dma_start3A_369 = tpu.memref_slice %arg6[%dma_start3A_366, %dma_start3A_367, %dma_start3A_368] : memref<10x128x64xf32, #tpu.memory_space<vmem>> -> memref<1x128x64xf32, #tpu.memory_space<vmem>>
      %dma_start3A_370 = tpu.memref_squeeze %dma_start3A_369 : memref<1x128x64xf32, #tpu.memory_space<vmem>> -> memref<128x64xf32, #tpu.memory_space<vmem>>
      %dma_start3A_371 = arith.constant 0 : i32
      %dma_start3A_372 = tpu.memref_slice %arg4[%add3A_365, %mul3A_2, %dma_start3A_371] : memref<200x4096x128xf32, #tpu.memory_space<hbm>> -> memref<1x128x64xf32, #tpu.memory_space<hbm>>
      %dma_start3A_373 = tpu.memref_squeeze %dma_start3A_372 : memref<1x128x64xf32, #tpu.memory_space<hbm>> -> memref<128x64xf32, #tpu.memory_space<hbm>>
      %dma_start3A_374 = arith.constant 0 : i32
      %dma_start3A_375 = tpu.memref_slice %arg4[%add3A_365, %mul3A_2, %dma_start3A_374] : memref<200x4096x128xf32, #tpu.memory_space<hbm>> -> memref<1x128x64xf32, #tpu.memory_space<hbm>>
      %dma_start3A_376 = tpu.memref_squeeze %dma_start3A_375 : memref<1x128x64xf32, #tpu.memory_space<hbm>> -> memref<128x64xf32, #tpu.memory_space<hbm>>
      %dma_start3A_377 = arith.constant 0 : i32
      %dma_start3A_378 = arith.constant 0 : i32
      %dma_start3A_379 = tpu.memref_slice %arg6[%dma_start3A_366, %dma_start3A_377, %dma_start3A_378] : memref<10x128x64xf32, #tpu.memory_space<vmem>> -> memref<1x128x64xf32, #tpu.memory_space<vmem>>
      %dma_start3A_380 = tpu.memref_squeeze %dma_start3A_379 : memref<1x128x64xf32, #tpu.memory_space<vmem>> -> memref<128x64xf32, #tpu.memory_space<vmem>>
      tpu.enqueue_dma source(%dma_start3A_380 : memref<128x64xf32, #tpu.memory_space<vmem>>) target(%dma_start3A_376 : memref<128x64xf32, #tpu.memory_space<hbm>>) target_semaphore(%arg8 : memref<!tpu.dma_semaphore, #tpu.memory_space<semaphore_mem>>)
      %mul3A_381 = arith.constant 10 : i32
      %mul3A_382 = arith.muli %scan3A_8, %mul3A_381 : i32
      %add3A_383 = arith.constant 6 : i32
      %add3A_384 = arith.addi %mul3A_382, %add3A_383 : i32
      %dma_start3A_385 = arith.constant 6 : i32
      %dma_start3A_386 = arith.constant 0 : i32
      %dma_start3A_387 = arith.constant 0 : i32
      %dma_start3A_388 = tpu.memref_slice %arg6[%dma_start3A_385, %dma_start3A_386, %dma_start3A_387] : memref<10x128x64xf32, #tpu.memory_space<vmem>> -> memref<1x128x64xf32, #tpu.memory_space<vmem>>
      %dma_start3A_389 = tpu.memref_squeeze %dma_start3A_388 : memref<1x128x64xf32, #tpu.memory_space<vmem>> -> memref<128x64xf32, #tpu.memory_space<vmem>>
      %dma_start3A_390 = arith.constant 0 : i32
      %dma_start3A_391 = tpu.memref_slice %arg4[%add3A_384, %mul3A_2, %dma_start3A_390] : memref<200x4096x128xf32, #tpu.memory_space<hbm>> -> memref<1x128x64xf32, #tpu.memory_space<hbm>>
      %dma_start3A_392 = tpu.memref_squeeze %dma_start3A_391 : memref<1x128x64xf32, #tpu.memory_space<hbm>> -> memref<128x64xf32, #tpu.memory_space<hbm>>
      %dma_start3A_393 = arith.constant 0 : i32
      %dma_start3A_394 = tpu.memref_slice %arg4[%add3A_384, %mul3A_2, %dma_start3A_393] : memref<200x4096x128xf32, #tpu.memory_space<hbm>> -> memref<1x128x64xf32, #tpu.memory_space<hbm>>
      %dma_start3A_395 = tpu.memref_squeeze %dma_start3A_394 : memref<1x128x64xf32, #tpu.memory_space<hbm>> -> memref<128x64xf32, #tpu.memory_space<hbm>>
      %dma_start3A_396 = arith.constant 0 : i32
      %dma_start3A_397 = arith.constant 0 : i32
      %dma_start3A_398 = tpu.memref_slice %arg6[%dma_start3A_385, %dma_start3A_396, %dma_start3A_397] : memref<10x128x64xf32, #tpu.memory_space<vmem>> -> memref<1x128x64xf32, #tpu.memory_space<vmem>>
      %dma_start3A_399 = tpu.memref_squeeze %dma_start3A_398 : memref<1x128x64xf32, #tpu.memory_space<vmem>> -> memref<128x64xf32, #tpu.memory_space<vmem>>
      tpu.enqueue_dma source(%dma_start3A_399 : memref<128x64xf32, #tpu.memory_space<vmem>>) target(%dma_start3A_395 : memref<128x64xf32, #tpu.memory_space<hbm>>) target_semaphore(%arg8 : memref<!tpu.dma_semaphore, #tpu.memory_space<semaphore_mem>>)
      %mul3A_400 = arith.constant 10 : i32
      %mul3A_401 = arith.muli %scan3A_8, %mul3A_400 : i32
      %add3A_402 = arith.constant 7 : i32
      %add3A_403 = arith.addi %mul3A_401, %add3A_402 : i32
      %dma_start3A_404 = arith.constant 7 : i32
      %dma_start3A_405 = arith.constant 0 : i32
      %dma_start3A_406 = arith.constant 0 : i32
      %dma_start3A_407 = tpu.memref_slice %arg6[%dma_start3A_404, %dma_start3A_405, %dma_start3A_406] : memref<10x128x64xf32, #tpu.memory_space<vmem>> -> memref<1x128x64xf32, #tpu.memory_space<vmem>>
      %dma_start3A_408 = tpu.memref_squeeze %dma_start3A_407 : memref<1x128x64xf32, #tpu.memory_space<vmem>> -> memref<128x64xf32, #tpu.memory_space<vmem>>
      %dma_start3A_409 = arith.constant 0 : i32
      %dma_start3A_410 = tpu.memref_slice %arg4[%add3A_403, %mul3A_2, %dma_start3A_409] : memref<200x4096x128xf32, #tpu.memory_space<hbm>> -> memref<1x128x64xf32, #tpu.memory_space<hbm>>
      %dma_start3A_411 = tpu.memref_squeeze %dma_start3A_410 : memref<1x128x64xf32, #tpu.memory_space<hbm>> -> memref<128x64xf32, #tpu.memory_space<hbm>>
      %dma_start3A_412 = arith.constant 0 : i32
      %dma_start3A_413 = tpu.memref_slice %arg4[%add3A_403, %mul3A_2, %dma_start3A_412] : memref<200x4096x128xf32, #tpu.memory_space<hbm>> -> memref<1x128x64xf32, #tpu.memory_space<hbm>>
      %dma_start3A_414 = tpu.memref_squeeze %dma_start3A_413 : memref<1x128x64xf32, #tpu.memory_space<hbm>> -> memref<128x64xf32, #tpu.memory_space<hbm>>
      %dma_start3A_415 = arith.constant 0 : i32
      %dma_start3A_416 = arith.constant 0 : i32
      %dma_start3A_417 = tpu.memref_slice %arg6[%dma_start3A_404, %dma_start3A_415, %dma_start3A_416] : memref<10x128x64xf32, #tpu.memory_space<vmem>> -> memref<1x128x64xf32, #tpu.memory_space<vmem>>
      %dma_start3A_418 = tpu.memref_squeeze %dma_start3A_417 : memref<1x128x64xf32, #tpu.memory_space<vmem>> -> memref<128x64xf32, #tpu.memory_space<vmem>>
      tpu.enqueue_dma source(%dma_start3A_418 : memref<128x64xf32, #tpu.memory_space<vmem>>) target(%dma_start3A_414 : memref<128x64xf32, #tpu.memory_space<hbm>>) target_semaphore(%arg8 : memref<!tpu.dma_semaphore, #tpu.memory_space<semaphore_mem>>)
      %mul3A_419 = arith.constant 10 : i32
      %mul3A_420 = arith.muli %scan3A_8, %mul3A_419 : i32
      %add3A_421 = arith.constant 8 : i32
      %add3A_422 = arith.addi %mul3A_420, %add3A_421 : i32
      %dma_start3A_423 = arith.constant 8 : i32
      %dma_start3A_424 = arith.constant 0 : i32
      %dma_start3A_425 = arith.constant 0 : i32
      %dma_start3A_426 = tpu.memref_slice %arg6[%dma_start3A_423, %dma_start3A_424, %dma_start3A_425] : memref<10x128x64xf32, #tpu.memory_space<vmem>> -> memref<1x128x64xf32, #tpu.memory_space<vmem>>
      %dma_start3A_427 = tpu.memref_squeeze %dma_start3A_426 : memref<1x128x64xf32, #tpu.memory_space<vmem>> -> memref<128x64xf32, #tpu.memory_space<vmem>>
      %dma_start3A_428 = arith.constant 0 : i32
      %dma_start3A_429 = tpu.memref_slice %arg4[%add3A_422, %mul3A_2, %dma_start3A_428] : memref<200x4096x128xf32, #tpu.memory_space<hbm>> -> memref<1x128x64xf32, #tpu.memory_space<hbm>>
      %dma_start3A_430 = tpu.memref_squeeze %dma_start3A_429 : memref<1x128x64xf32, #tpu.memory_space<hbm>> -> memref<128x64xf32, #tpu.memory_space<hbm>>
      %dma_start3A_431 = arith.constant 0 : i32
      %dma_start3A_432 = tpu.memref_slice %arg4[%add3A_422, %mul3A_2, %dma_start3A_431] : memref<200x4096x128xf32, #tpu.memory_space<hbm>> -> memref<1x128x64xf32, #tpu.memory_space<hbm>>
      %dma_start3A_433 = tpu.memref_squeeze %dma_start3A_432 : memref<1x128x64xf32, #tpu.memory_space<hbm>> -> memref<128x64xf32, #tpu.memory_space<hbm>>
      %dma_start3A_434 = arith.constant 0 : i32
      %dma_start3A_435 = arith.constant 0 : i32
      %dma_start3A_436 = tpu.memref_slice %arg6[%dma_start3A_423, %dma_start3A_434, %dma_start3A_435] : memref<10x128x64xf32, #tpu.memory_space<vmem>> -> memref<1x128x64xf32, #tpu.memory_space<vmem>>
      %dma_start3A_437 = tpu.memref_squeeze %dma_start3A_436 : memref<1x128x64xf32, #tpu.memory_space<vmem>> -> memref<128x64xf32, #tpu.memory_space<vmem>>
      tpu.enqueue_dma source(%dma_start3A_437 : memref<128x64xf32, #tpu.memory_space<vmem>>) target(%dma_start3A_433 : memref<128x64xf32, #tpu.memory_space<hbm>>) target_semaphore(%arg8 : memref<!tpu.dma_semaphore, #tpu.memory_space<semaphore_mem>>)
      %mul3A_438 = arith.constant 10 : i32
      %mul3A_439 = arith.muli %scan3A_8, %mul3A_438 : i32
      %add3A_440 = arith.constant 9 : i32
      %add3A_441 = arith.addi %mul3A_439, %add3A_440 : i32
      %dma_start3A_442 = arith.constant 9 : i32
      %dma_start3A_443 = arith.constant 0 : i32
      %dma_start3A_444 = arith.constant 0 : i32
      %dma_start3A_445 = tpu.memref_slice %arg6[%dma_start3A_442, %dma_start3A_443, %dma_start3A_444] : memref<10x128x64xf32, #tpu.memory_space<vmem>> -> memref<1x128x64xf32, #tpu.memory_space<vmem>>
      %dma_start3A_446 = tpu.memref_squeeze %dma_start3A_445 : memref<1x128x64xf32, #tpu.memory_space<vmem>> -> memref<128x64xf32, #tpu.memory_space<vmem>>
      %dma_start3A_447 = arith.constant 0 : i32
      %dma_start3A_448 = tpu.memref_slice %arg4[%add3A_441, %mul3A_2, %dma_start3A_447] : memref<200x4096x128xf32, #tpu.memory_space<hbm>> -> memref<1x128x64xf32, #tpu.memory_space<hbm>>
      %dma_start3A_449 = tpu.memref_squeeze %dma_start3A_448 : memref<1x128x64xf32, #tpu.memory_space<hbm>> -> memref<128x64xf32, #tpu.memory_space<hbm>>
      %dma_start3A_450 = arith.constant 0 : i32
      %dma_start3A_451 = tpu.memref_slice %arg4[%add3A_441, %mul3A_2, %dma_start3A_450] : memref<200x4096x128xf32, #tpu.memory_space<hbm>> -> memref<1x128x64xf32, #tpu.memory_space<hbm>>
      %dma_start3A_452 = tpu.memref_squeeze %dma_start3A_451 : memref<1x128x64xf32, #tpu.memory_space<hbm>> -> memref<128x64xf32, #tpu.memory_space<hbm>>
      %dma_start3A_453 = arith.constant 0 : i32
      %dma_start3A_454 = arith.constant 0 : i32
      %dma_start3A_455 = tpu.memref_slice %arg6[%dma_start3A_442, %dma_start3A_453, %dma_start3A_454] : memref<10x128x64xf32, #tpu.memory_space<vmem>> -> memref<1x128x64xf32, #tpu.memory_space<vmem>>
      %dma_start3A_456 = tpu.memref_squeeze %dma_start3A_455 : memref<1x128x64xf32, #tpu.memory_space<vmem>> -> memref<128x64xf32, #tpu.memory_space<vmem>>
      tpu.enqueue_dma source(%dma_start3A_456 : memref<128x64xf32, #tpu.memory_space<vmem>>) target(%dma_start3A_452 : memref<128x64xf32, #tpu.memory_space<hbm>>) target_semaphore(%arg8 : memref<!tpu.dma_semaphore, #tpu.memory_space<semaphore_mem>>)
      %dma_wait3A_457 = arith.constant 0 : i32
      %dma_wait3A_458 = arith.constant 0 : i32
      %dma_wait3A_459 = arith.constant 0 : i32
      %dma_wait3A_460 = tpu.memref_slice %arg6[%dma_wait3A_457, %dma_wait3A_458, %dma_wait3A_459] : memref<10x128x64xf32, #tpu.memory_space<vmem>> -> memref<1x128x64xf32, #tpu.memory_space<vmem>>
      %dma_wait3A_461 = tpu.memref_squeeze %dma_wait3A_460 : memref<1x128x64xf32, #tpu.memory_space<vmem>> -> memref<128x64xf32, #tpu.memory_space<vmem>>
      %dma_wait3A_462 = arith.constant 0 : i32
      %dma_wait3A_463 = tpu.memref_slice %arg4[%add3A_270, %mul3A_2, %dma_wait3A_462] : memref<200x4096x128xf32, #tpu.memory_space<hbm>> -> memref<1x128x64xf32, #tpu.memory_space<hbm>>
      %dma_wait3A_464 = tpu.memref_squeeze %dma_wait3A_463 : memref<1x128x64xf32, #tpu.memory_space<hbm>> -> memref<128x64xf32, #tpu.memory_space<hbm>>
      %dma_wait3A_465 = arith.constant 0 : i32
      %dma_wait3A_466 = tpu.memref_slice %arg4[%add3A_270, %mul3A_2, %dma_wait3A_465] : memref<200x4096x128xf32, #tpu.memory_space<hbm>> -> memref<1x128x64xf32, #tpu.memory_space<hbm>>
      %dma_wait3A_467 = tpu.memref_squeeze %dma_wait3A_466 : memref<1x128x64xf32, #tpu.memory_space<hbm>> -> memref<128x64xf32, #tpu.memory_space<hbm>>
      %dma_wait3A_468 = arith.constant 0 : i32
      %dma_wait3A_469 = arith.constant 0 : i32
      %dma_wait3A_470 = tpu.memref_slice %arg6[%dma_wait3A_457, %dma_wait3A_468, %dma_wait3A_469] : memref<10x128x64xf32, #tpu.memory_space<vmem>> -> memref<1x128x64xf32, #tpu.memory_space<vmem>>
      %dma_wait3A_471 = tpu.memref_squeeze %dma_wait3A_470 : memref<1x128x64xf32, #tpu.memory_space<vmem>> -> memref<128x64xf32, #tpu.memory_space<vmem>>
      tpu.wait_dma2 semaphore(%arg8 : memref<!tpu.dma_semaphore, #tpu.memory_space<semaphore_mem>>) src(%dma_wait3A_471 : memref<128x64xf32, #tpu.memory_space<vmem>>) dst(%dma_wait3A_467 : memref<128x64xf32, #tpu.memory_space<hbm>>)
      %dma_wait3A_472 = arith.constant 1 : i32
      %dma_wait3A_473 = arith.constant 0 : i32
      %dma_wait3A_474 = arith.constant 0 : i32
      %dma_wait3A_475 = tpu.memref_slice %arg6[%dma_wait3A_472, %dma_wait3A_473, %dma_wait3A_474] : memref<10x128x64xf32, #tpu.memory_space<vmem>> -> memref<1x128x64xf32, #tpu.memory_space<vmem>>
      %dma_wait3A_476 = tpu.memref_squeeze %dma_wait3A_475 : memref<1x128x64xf32, #tpu.memory_space<vmem>> -> memref<128x64xf32, #tpu.memory_space<vmem>>
      %dma_wait3A_477 = arith.constant 0 : i32
      %dma_wait3A_478 = tpu.memref_slice %arg4[%add3A_289, %mul3A_2, %dma_wait3A_477] : memref<200x4096x128xf32, #tpu.memory_space<hbm>> -> memref<1x128x64xf32, #tpu.memory_space<hbm>>
      %dma_wait3A_479 = tpu.memref_squeeze %dma_wait3A_478 : memref<1x128x64xf32, #tpu.memory_space<hbm>> -> memref<128x64xf32, #tpu.memory_space<hbm>>
      %dma_wait3A_480 = arith.constant 0 : i32
      %dma_wait3A_481 = tpu.memref_slice %arg4[%add3A_289, %mul3A_2, %dma_wait3A_480] : memref<200x4096x128xf32, #tpu.memory_space<hbm>> -> memref<1x128x64xf32, #tpu.memory_space<hbm>>
      %dma_wait3A_482 = tpu.memref_squeeze %dma_wait3A_481 : memref<1x128x64xf32, #tpu.memory_space<hbm>> -> memref<128x64xf32, #tpu.memory_space<hbm>>
      %dma_wait3A_483 = arith.constant 0 : i32
      %dma_wait3A_484 = arith.constant 0 : i32
      %dma_wait3A_485 = tpu.memref_slice %arg6[%dma_wait3A_472, %dma_wait3A_483, %dma_wait3A_484] : memref<10x128x64xf32, #tpu.memory_space<vmem>> -> memref<1x128x64xf32, #tpu.memory_space<vmem>>
      %dma_wait3A_486 = tpu.memref_squeeze %dma_wait3A_485 : memref<1x128x64xf32, #tpu.memory_space<vmem>> -> memref<128x64xf32, #tpu.memory_space<vmem>>
      tpu.wait_dma2 semaphore(%arg8 : memref<!tpu.dma_semaphore, #tpu.memory_space<semaphore_mem>>) src(%dma_wait3A_486 : memref<128x64xf32, #tpu.memory_space<vmem>>) dst(%dma_wait3A_482 : memref<128x64xf32, #tpu.memory_space<hbm>>)
      %dma_wait3A_487 = arith.constant 2 : i32
      %dma_wait3A_488 = arith.constant 0 : i32
      %dma_wait3A_489 = arith.constant 0 : i32
      %dma_wait3A_490 = tpu.memref_slice %arg6[%dma_wait3A_487, %dma_wait3A_488, %dma_wait3A_489] : memref<10x128x64xf32, #tpu.memory_space<vmem>> -> memref<1x128x64xf32, #tpu.memory_space<vmem>>
      %dma_wait3A_491 = tpu.memref_squeeze %dma_wait3A_490 : memref<1x128x64xf32, #tpu.memory_space<vmem>> -> memref<128x64xf32, #tpu.memory_space<vmem>>
      %dma_wait3A_492 = arith.constant 0 : i32
      %dma_wait3A_493 = tpu.memref_slice %arg4[%add3A_308, %mul3A_2, %dma_wait3A_492] : memref<200x4096x128xf32, #tpu.memory_space<hbm>> -> memref<1x128x64xf32, #tpu.memory_space<hbm>>
      %dma_wait3A_494 = tpu.memref_squeeze %dma_wait3A_493 : memref<1x128x64xf32, #tpu.memory_space<hbm>> -> memref<128x64xf32, #tpu.memory_space<hbm>>
      %dma_wait3A_495 = arith.constant 0 : i32
      %dma_wait3A_496 = tpu.memref_slice %arg4[%add3A_308, %mul3A_2, %dma_wait3A_495] : memref<200x4096x128xf32, #tpu.memory_space<hbm>> -> memref<1x128x64xf32, #tpu.memory_space<hbm>>
      %dma_wait3A_497 = tpu.memref_squeeze %dma_wait3A_496 : memref<1x128x64xf32, #tpu.memory_space<hbm>> -> memref<128x64xf32, #tpu.memory_space<hbm>>
      %dma_wait3A_498 = arith.constant 0 : i32
      %dma_wait3A_499 = arith.constant 0 : i32
      %dma_wait3A_500 = tpu.memref_slice %arg6[%dma_wait3A_487, %dma_wait3A_498, %dma_wait3A_499] : memref<10x128x64xf32, #tpu.memory_space<vmem>> -> memref<1x128x64xf32, #tpu.memory_space<vmem>>
      %dma_wait3A_501 = tpu.memref_squeeze %dma_wait3A_500 : memref<1x128x64xf32, #tpu.memory_space<vmem>> -> memref<128x64xf32, #tpu.memory_space<vmem>>
      tpu.wait_dma2 semaphore(%arg8 : memref<!tpu.dma_semaphore, #tpu.memory_space<semaphore_mem>>) src(%dma_wait3A_501 : memref<128x64xf32, #tpu.memory_space<vmem>>) dst(%dma_wait3A_497 : memref<128x64xf32, #tpu.memory_space<hbm>>)
      %dma_wait3A_502 = arith.constant 3 : i32
      %dma_wait3A_503 = arith.constant 0 : i32
      %dma_wait3A_504 = arith.constant 0 : i32
      %dma_wait3A_505 = tpu.memref_slice %arg6[%dma_wait3A_502, %dma_wait3A_503, %dma_wait3A_504] : memref<10x128x64xf32, #tpu.memory_space<vmem>> -> memref<1x128x64xf32, #tpu.memory_space<vmem>>
      %dma_wait3A_506 = tpu.memref_squeeze %dma_wait3A_505 : memref<1x128x64xf32, #tpu.memory_space<vmem>> -> memref<128x64xf32, #tpu.memory_space<vmem>>
      %dma_wait3A_507 = arith.constant 0 : i32
      %dma_wait3A_508 = tpu.memref_slice %arg4[%add3A_327, %mul3A_2, %dma_wait3A_507] : memref<200x4096x128xf32, #tpu.memory_space<hbm>> -> memref<1x128x64xf32, #tpu.memory_space<hbm>>
      %dma_wait3A_509 = tpu.memref_squeeze %dma_wait3A_508 : memref<1x128x64xf32, #tpu.memory_space<hbm>> -> memref<128x64xf32, #tpu.memory_space<hbm>>
      %dma_wait3A_510 = arith.constant 0 : i32
      %dma_wait3A_511 = tpu.memref_slice %arg4[%add3A_327, %mul3A_2, %dma_wait3A_510] : memref<200x4096x128xf32, #tpu.memory_space<hbm>> -> memref<1x128x64xf32, #tpu.memory_space<hbm>>
      %dma_wait3A_512 = tpu.memref_squeeze %dma_wait3A_511 : memref<1x128x64xf32, #tpu.memory_space<hbm>> -> memref<128x64xf32, #tpu.memory_space<hbm>>
      %dma_wait3A_513 = arith.constant 0 : i32
      %dma_wait3A_514 = arith.constant 0 : i32
      %dma_wait3A_515 = tpu.memref_slice %arg6[%dma_wait3A_502, %dma_wait3A_513, %dma_wait3A_514] : memref<10x128x64xf32, #tpu.memory_space<vmem>> -> memref<1x128x64xf32, #tpu.memory_space<vmem>>
      %dma_wait3A_516 = tpu.memref_squeeze %dma_wait3A_515 : memref<1x128x64xf32, #tpu.memory_space<vmem>> -> memref<128x64xf32, #tpu.memory_space<vmem>>
      tpu.wait_dma2 semaphore(%arg8 : memref<!tpu.dma_semaphore, #tpu.memory_space<semaphore_mem>>) src(%dma_wait3A_516 : memref<128x64xf32, #tpu.memory_space<vmem>>) dst(%dma_wait3A_512 : memref<128x64xf32, #tpu.memory_space<hbm>>)
      %dma_wait3A_517 = arith.constant 4 : i32
      %dma_wait3A_518 = arith.constant 0 : i32
      %dma_wait3A_519 = arith.constant 0 : i32
      %dma_wait3A_520 = tpu.memref_slice %arg6[%dma_wait3A_517, %dma_wait3A_518, %dma_wait3A_519] : memref<10x128x64xf32, #tpu.memory_space<vmem>> -> memref<1x128x64xf32, #tpu.memory_space<vmem>>
      %dma_wait3A_521 = tpu.memref_squeeze %dma_wait3A_520 : memref<1x128x64xf32, #tpu.memory_space<vmem>> -> memref<128x64xf32, #tpu.memory_space<vmem>>
      %dma_wait3A_522 = arith.constant 0 : i32
      %dma_wait3A_523 = tpu.memref_slice %arg4[%add3A_346, %mul3A_2, %dma_wait3A_522] : memref<200x4096x128xf32, #tpu.memory_space<hbm>> -> memref<1x128x64xf32, #tpu.memory_space<hbm>>
      %dma_wait3A_524 = tpu.memref_squeeze %dma_wait3A_523 : memref<1x128x64xf32, #tpu.memory_space<hbm>> -> memref<128x64xf32, #tpu.memory_space<hbm>>
      %dma_wait3A_525 = arith.constant 0 : i32
      %dma_wait3A_526 = tpu.memref_slice %arg4[%add3A_346, %mul3A_2, %dma_wait3A_525] : memref<200x4096x128xf32, #tpu.memory_space<hbm>> -> memref<1x128x64xf32, #tpu.memory_space<hbm>>
      %dma_wait3A_527 = tpu.memref_squeeze %dma_wait3A_526 : memref<1x128x64xf32, #tpu.memory_space<hbm>> -> memref<128x64xf32, #tpu.memory_space<hbm>>
      %dma_wait3A_528 = arith.constant 0 : i32
      %dma_wait3A_529 = arith.constant 0 : i32
      %dma_wait3A_530 = tpu.memref_slice %arg6[%dma_wait3A_517, %dma_wait3A_528, %dma_wait3A_529] : memref<10x128x64xf32, #tpu.memory_space<vmem>> -> memref<1x128x64xf32, #tpu.memory_space<vmem>>
      %dma_wait3A_531 = tpu.memref_squeeze %dma_wait3A_530 : memref<1x128x64xf32, #tpu.memory_space<vmem>> -> memref<128x64xf32, #tpu.memory_space<vmem>>
      tpu.wait_dma2 semaphore(%arg8 : memref<!tpu.dma_semaphore, #tpu.memory_space<semaphore_mem>>) src(%dma_wait3A_531 : memref<128x64xf32, #tpu.memory_space<vmem>>) dst(%dma_wait3A_527 : memref<128x64xf32, #tpu.memory_space<hbm>>)
      %dma_wait3A_532 = arith.constant 5 : i32
      %dma_wait3A_533 = arith.constant 0 : i32
      %dma_wait3A_534 = arith.constant 0 : i32
      %dma_wait3A_535 = tpu.memref_slice %arg6[%dma_wait3A_532, %dma_wait3A_533, %dma_wait3A_534] : memref<10x128x64xf32, #tpu.memory_space<vmem>> -> memref<1x128x64xf32, #tpu.memory_space<vmem>>
      %dma_wait3A_536 = tpu.memref_squeeze %dma_wait3A_535 : memref<1x128x64xf32, #tpu.memory_space<vmem>> -> memref<128x64xf32, #tpu.memory_space<vmem>>
      %dma_wait3A_537 = arith.constant 0 : i32
      %dma_wait3A_538 = tpu.memref_slice %arg4[%add3A_365, %mul3A_2, %dma_wait3A_537] : memref<200x4096x128xf32, #tpu.memory_space<hbm>> -> memref<1x128x64xf32, #tpu.memory_space<hbm>>
      %dma_wait3A_539 = tpu.memref_squeeze %dma_wait3A_538 : memref<1x128x64xf32, #tpu.memory_space<hbm>> -> memref<128x64xf32, #tpu.memory_space<hbm>>
      %dma_wait3A_540 = arith.constant 0 : i32
      %dma_wait3A_541 = tpu.memref_slice %arg4[%add3A_365, %mul3A_2, %dma_wait3A_540] : memref<200x4096x128xf32, #tpu.memory_space<hbm>> -> memref<1x128x64xf32, #tpu.memory_space<hbm>>
      %dma_wait3A_542 = tpu.memref_squeeze %dma_wait3A_541 : memref<1x128x64xf32, #tpu.memory_space<hbm>> -> memref<128x64xf32, #tpu.memory_space<hbm>>
      %dma_wait3A_543 = arith.constant 0 : i32
      %dma_wait3A_544 = arith.constant 0 : i32
      %dma_wait3A_545 = tpu.memref_slice %arg6[%dma_wait3A_532, %dma_wait3A_543, %dma_wait3A_544] : memref<10x128x64xf32, #tpu.memory_space<vmem>> -> memref<1x128x64xf32, #tpu.memory_space<vmem>>
      %dma_wait3A_546 = tpu.memref_squeeze %dma_wait3A_545 : memref<1x128x64xf32, #tpu.memory_space<vmem>> -> memref<128x64xf32, #tpu.memory_space<vmem>>
      tpu.wait_dma2 semaphore(%arg8 : memref<!tpu.dma_semaphore, #tpu.memory_space<semaphore_mem>>) src(%dma_wait3A_546 : memref<128x64xf32, #tpu.memory_space<vmem>>) dst(%dma_wait3A_542 : memref<128x64xf32, #tpu.memory_space<hbm>>)
      %dma_wait3A_547 = arith.constant 6 : i32
      %dma_wait3A_548 = arith.constant 0 : i32
      %dma_wait3A_549 = arith.constant 0 : i32
      %dma_wait3A_550 = tpu.memref_slice %arg6[%dma_wait3A_547, %dma_wait3A_548, %dma_wait3A_549] : memref<10x128x64xf32, #tpu.memory_space<vmem>> -> memref<1x128x64xf32, #tpu.memory_space<vmem>>
      %dma_wait3A_551 = tpu.memref_squeeze %dma_wait3A_550 : memref<1x128x64xf32, #tpu.memory_space<vmem>> -> memref<128x64xf32, #tpu.memory_space<vmem>>
      %dma_wait3A_552 = arith.constant 0 : i32
      %dma_wait3A_553 = tpu.memref_slice %arg4[%add3A_384, %mul3A_2, %dma_wait3A_552] : memref<200x4096x128xf32, #tpu.memory_space<hbm>> -> memref<1x128x64xf32, #tpu.memory_space<hbm>>
      %dma_wait3A_554 = tpu.memref_squeeze %dma_wait3A_553 : memref<1x128x64xf32, #tpu.memory_space<hbm>> -> memref<128x64xf32, #tpu.memory_space<hbm>>
      %dma_wait3A_555 = arith.constant 0 : i32
      %dma_wait3A_556 = tpu.memref_slice %arg4[%add3A_384, %mul3A_2, %dma_wait3A_555] : memref<200x4096x128xf32, #tpu.memory_space<hbm>> -> memref<1x128x64xf32, #tpu.memory_space<hbm>>
      %dma_wait3A_557 = tpu.memref_squeeze %dma_wait3A_556 : memref<1x128x64xf32, #tpu.memory_space<hbm>> -> memref<128x64xf32, #tpu.memory_space<hbm>>
      %dma_wait3A_558 = arith.constant 0 : i32
      %dma_wait3A_559 = arith.constant 0 : i32
      %dma_wait3A_560 = tpu.memref_slice %arg6[%dma_wait3A_547, %dma_wait3A_558, %dma_wait3A_559] : memref<10x128x64xf32, #tpu.memory_space<vmem>> -> memref<1x128x64xf32, #tpu.memory_space<vmem>>
      %dma_wait3A_561 = tpu.memref_squeeze %dma_wait3A_560 : memref<1x128x64xf32, #tpu.memory_space<vmem>> -> memref<128x64xf32, #tpu.memory_space<vmem>>
      tpu.wait_dma2 semaphore(%arg8 : memref<!tpu.dma_semaphore, #tpu.memory_space<semaphore_mem>>) src(%dma_wait3A_561 : memref<128x64xf32, #tpu.memory_space<vmem>>) dst(%dma_wait3A_557 : memref<128x64xf32, #tpu.memory_space<hbm>>)
      %dma_wait3A_562 = arith.constant 7 : i32
      %dma_wait3A_563 = arith.constant 0 : i32
      %dma_wait3A_564 = arith.constant 0 : i32
      %dma_wait3A_565 = tpu.memref_slice %arg6[%dma_wait3A_562, %dma_wait3A_563, %dma_wait3A_564] : memref<10x128x64xf32, #tpu.memory_space<vmem>> -> memref<1x128x64xf32, #tpu.memory_space<vmem>>
      %dma_wait3A_566 = tpu.memref_squeeze %dma_wait3A_565 : memref<1x128x64xf32, #tpu.memory_space<vmem>> -> memref<128x64xf32, #tpu.memory_space<vmem>>
      %dma_wait3A_567 = arith.constant 0 : i32
      %dma_wait3A_568 = tpu.memref_slice %arg4[%add3A_403, %mul3A_2, %dma_wait3A_567] : memref<200x4096x128xf32, #tpu.memory_space<hbm>> -> memref<1x128x64xf32, #tpu.memory_space<hbm>>
      %dma_wait3A_569 = tpu.memref_squeeze %dma_wait3A_568 : memref<1x128x64xf32, #tpu.memory_space<hbm>> -> memref<128x64xf32, #tpu.memory_space<hbm>>
      %dma_wait3A_570 = arith.constant 0 : i32
      %dma_wait3A_571 = tpu.memref_slice %arg4[%add3A_403, %mul3A_2, %dma_wait3A_570] : memref<200x4096x128xf32, #tpu.memory_space<hbm>> -> memref<1x128x64xf32, #tpu.memory_space<hbm>>
      %dma_wait3A_572 = tpu.memref_squeeze %dma_wait3A_571 : memref<1x128x64xf32, #tpu.memory_space<hbm>> -> memref<128x64xf32, #tpu.memory_space<hbm>>
      %dma_wait3A_573 = arith.constant 0 : i32
      %dma_wait3A_574 = arith.constant 0 : i32
      %dma_wait3A_575 = tpu.memref_slice %arg6[%dma_wait3A_562, %dma_wait3A_573, %dma_wait3A_574] : memref<10x128x64xf32, #tpu.memory_space<vmem>> -> memref<1x128x64xf32, #tpu.memory_space<vmem>>
      %dma_wait3A_576 = tpu.memref_squeeze %dma_wait3A_575 : memref<1x128x64xf32, #tpu.memory_space<vmem>> -> memref<128x64xf32, #tpu.memory_space<vmem>>
      tpu.wait_dma2 semaphore(%arg8 : memref<!tpu.dma_semaphore, #tpu.memory_space<semaphore_mem>>) src(%dma_wait3A_576 : memref<128x64xf32, #tpu.memory_space<vmem>>) dst(%dma_wait3A_572 : memref<128x64xf32, #tpu.memory_space<hbm>>)
      %dma_wait3A_577 = arith.constant 8 : i32
      %dma_wait3A_578 = arith.constant 0 : i32
      %dma_wait3A_579 = arith.constant 0 : i32
      %dma_wait3A_580 = tpu.memref_slice %arg6[%dma_wait3A_577, %dma_wait3A_578, %dma_wait3A_579] : memref<10x128x64xf32, #tpu.memory_space<vmem>> -> memref<1x128x64xf32, #tpu.memory_space<vmem>>
      %dma_wait3A_581 = tpu.memref_squeeze %dma_wait3A_580 : memref<1x128x64xf32, #tpu.memory_space<vmem>> -> memref<128x64xf32, #tpu.memory_space<vmem>>
      %dma_wait3A_582 = arith.constant 0 : i32
      %dma_wait3A_583 = tpu.memref_slice %arg4[%add3A_422, %mul3A_2, %dma_wait3A_582] : memref<200x4096x128xf32, #tpu.memory_space<hbm>> -> memref<1x128x64xf32, #tpu.memory_space<hbm>>
      %dma_wait3A_584 = tpu.memref_squeeze %dma_wait3A_583 : memref<1x128x64xf32, #tpu.memory_space<hbm>> -> memref<128x64xf32, #tpu.memory_space<hbm>>
      %dma_wait3A_585 = arith.constant 0 : i32
      %dma_wait3A_586 = tpu.memref_slice %arg4[%add3A_422, %mul3A_2, %dma_wait3A_585] : memref<200x4096x128xf32, #tpu.memory_space<hbm>> -> memref<1x128x64xf32, #tpu.memory_space<hbm>>
      %dma_wait3A_587 = tpu.memref_squeeze %dma_wait3A_586 : memref<1x128x64xf32, #tpu.memory_space<hbm>> -> memref<128x64xf32, #tpu.memory_space<hbm>>
      %dma_wait3A_588 = arith.constant 0 : i32
      %dma_wait3A_589 = arith.constant 0 : i32
      %dma_wait3A_590 = tpu.memref_slice %arg6[%dma_wait3A_577, %dma_wait3A_588, %dma_wait3A_589] : memref<10x128x64xf32, #tpu.memory_space<vmem>> -> memref<1x128x64xf32, #tpu.memory_space<vmem>>
      %dma_wait3A_591 = tpu.memref_squeeze %dma_wait3A_590 : memref<1x128x64xf32, #tpu.memory_space<vmem>> -> memref<128x64xf32, #tpu.memory_space<vmem>>
      tpu.wait_dma2 semaphore(%arg8 : memref<!tpu.dma_semaphore, #tpu.memory_space<semaphore_mem>>) src(%dma_wait3A_591 : memref<128x64xf32, #tpu.memory_space<vmem>>) dst(%dma_wait3A_587 : memref<128x64xf32, #tpu.memory_space<hbm>>)
      %dma_wait3A_592 = arith.constant 9 : i32
      %dma_wait3A_593 = arith.constant 0 : i32
      %dma_wait3A_594 = arith.constant 0 : i32
      %dma_wait3A_595 = tpu.memref_slice %arg6[%dma_wait3A_592, %dma_wait3A_593, %dma_wait3A_594] : memref<10x128x64xf32, #tpu.memory_space<vmem>> -> memref<1x128x64xf32, #tpu.memory_space<vmem>>
      %dma_wait3A_596 = tpu.memref_squeeze %dma_wait3A_595 : memref<1x128x64xf32, #tpu.memory_space<vmem>> -> memref<128x64xf32, #tpu.memory_space<vmem>>
      %dma_wait3A_597 = arith.constant 0 : i32
      %dma_wait3A_598 = tpu.memref_slice %arg4[%add3A_441, %mul3A_2, %dma_wait3A_597] : memref<200x4096x128xf32, #tpu.memory_space<hbm>> -> memref<1x128x64xf32, #tpu.memory_space<hbm>>
      %dma_wait3A_599 = tpu.memref_squeeze %dma_wait3A_598 : memref<1x128x64xf32, #tpu.memory_space<hbm>> -> memref<128x64xf32, #tpu.memory_space<hbm>>
      %dma_wait3A_600 = arith.constant 0 : i32
      %dma_wait3A_601 = tpu.memref_slice %arg4[%add3A_441, %mul3A_2, %dma_wait3A_600] : memref<200x4096x128xf32, #tpu.memory_space<hbm>> -> memref<1x128x64xf32, #tpu.memory_space<hbm>>
      %dma_wait3A_602 = tpu.memref_squeeze %dma_wait3A_601 : memref<1x128x64xf32, #tpu.memory_space<hbm>> -> memref<128x64xf32, #tpu.memory_space<hbm>>
      %dma_wait3A_603 = arith.constant 0 : i32
      %dma_wait3A_604 = arith.constant 0 : i32
      %dma_wait3A_605 = tpu.memref_slice %arg6[%dma_wait3A_592, %dma_wait3A_603, %dma_wait3A_604] : memref<10x128x64xf32, #tpu.memory_space<vmem>> -> memref<1x128x64xf32, #tpu.memory_space<vmem>>
      %dma_wait3A_606 = tpu.memref_squeeze %dma_wait3A_605 : memref<1x128x64xf32, #tpu.memory_space<vmem>> -> memref<128x64xf32, #tpu.memory_space<vmem>>
      tpu.wait_dma2 semaphore(%arg8 : memref<!tpu.dma_semaphore, #tpu.memory_space<semaphore_mem>>) src(%dma_wait3A_606 : memref<128x64xf32, #tpu.memory_space<vmem>>) dst(%dma_wait3A_602 : memref<128x64xf32, #tpu.memory_space<hbm>>)
    }
    %scan3A_7 = arith.constant 20 : i32
    return
  }
}

module attributes {stable_mosaic.version = 14 : i64} {
  func.func @_remap_body(%arg0: i32, %arg1: memref<200x512xi32, #tpu.memory_space<vmem>>, %arg2: memref<200x512xi32, #tpu.memory_space<vmem>>) attributes {dimension_semantics = [#tpu.dimension_semantics<arbitrary>], iteration_bounds = array<i64: 8>, scalar_prefetch = 0 : i64, scratch_operands = 0 : i64, tpu.core_type = #tpu.core_type<tc>, window_params = [{transform_indices = @transform_0, window_bounds = array<i64: 200, 512>}, {transform_indices = @transform_1, window_bounds = array<i64: 200, 512>}]} {
    %get3A = arith.constant 0 : index
    %get3A_0 = arith.constant 0 : index
    %get3A_1 = vector.load %arg1[%get3A, %get3A_0] : memref<200x512xi32, #tpu.memory_space<vmem>>, vector<200x512xi32>
    %eq3A = arith.constant 0 : i32
    %eq3A_2 = vector.broadcast %eq3A : i32 to vector<200x512xi32>
    %eq3A_3 = arith.cmpi eq, %get3A_1, %eq3A_2 : vector<200x512xi32>
    %sub3A = arith.constant 1 : i32
    %sub3A_4 = vector.broadcast %sub3A : i32 to vector<200x512xi32>
    %sub3A_5 = arith.subi %get3A_1, %sub3A_4 : vector<200x512xi32>
    %jit3A = arith.constant 100352 : i32
    %broadcast_in_dim3A = vector.broadcast %jit3A : i32 to vector<200x512xi32>
    %select_n3A = arith.select %eq3A_3, %broadcast_in_dim3A, %sub3A_5 : vector<200x512xi1>, vector<200x512xi32>
    %swap3A = arith.constant 0 : index
    %swap3A_6 = arith.constant 0 : index
    %swap3A_7 = vector.load %arg2[%swap3A, %swap3A_6] : memref<200x512xi32, #tpu.memory_space<vmem>>, vector<200x512xi32>
    tpu.vector_store %arg2[%swap3A, %swap3A_6], %select_n3A {strides = array<i32>} : memref<200x512xi32, #tpu.memory_space<vmem>>, vector<200x512xi32>,
    return
  }
  func.func @transform_0(%arg0: i32) -> (i32, i32) {
    %c0_i32 = arith.constant 0 : i32
    %c0_i32_0 = arith.constant 0 : i32
    return %c0_i32, %arg0 : i32, i32
  }
  func.func @transform_1(%arg0: i32) -> (i32, i32) {
    %c0_i32 = arith.constant 0 : i32
    %c0_i32_0 = arith.constant 0 : i32
    return %c0_i32, %arg0 : i32, i32
  }
}

module attributes {stable_mosaic.version = 14 : i64} {
  func.func @_table_body(%arg0: i32, %arg1: memref<5x64x2048xf32, #tpu.memory_space<vmem>>, %arg2: memref<1x64xf32, #tpu.memory_space<vmem>>, %arg3: memref<2048x64xf32, #tpu.memory_space<vmem>>) attributes {dimension_semantics = [#tpu.dimension_semantics<arbitrary>], iteration_bounds = array<i64: 50>, scalar_prefetch = 0 : i64, scratch_operands = 0 : i64, tpu.core_type = #tpu.core_type<tc>, window_params = [{transform_indices = @transform_0, window_bounds = array<i64: 5, 64, 2048>}, {pipeline_mode = #tpu.pipeline_mode<synchronous>, transform_indices = @transform_1, window_bounds = array<i64: 1, 64>}, {transform_indices = @transform_2, window_bounds = array<i64: 2048, 64>}]} {
    %lt3A = arith.constant 49 : i32
    %lt3A_0 = arith.cmpi slt, %arg0, %lt3A : i32
    %convert_element_type3A = arith.extui %lt3A_0 : i1 to i32
    %cond3A = arith.constant 0 : i32
    %cond3A_1 = arith.cmpi ne, %convert_element_type3A, %cond3A : i32
    scf.if %cond3A_1 {
      %get3A = arith.constant 0 : index
      %get3A_6 = arith.constant 0 : index
      %get3A_7 = arith.constant 0 : index
      %get3A_8 = vector.load %arg1[%get3A, %get3A_6, %get3A_7] : memref<5x64x2048xf32, #tpu.memory_space<vmem>>, vector<5x64x2048xf32>
      %reduce_sum3A = arith.constant dense<0.000000e+00> : vector<64x2048xf32>
      %reduce_sum3A_9 = vector.multi_reduction <add>, %get3A_8, %reduce_sum3A [0] : vector<5x64x2048xf32> to vector<64x2048xf32>
      %mul3A = arith.constant 2.000000e-01 : f32
      %mul3A_10 = vector.broadcast %mul3A : f32 to vector<64x2048xf32>
      %mul3A_11 = arith.mulf %reduce_sum3A_9, %mul3A_10 : vector<64x2048xf32>
      %mul3A_12 = arith.mulf %mul3A_11, %mul3A_11 : vector<64x2048xf32>
      %reduce_sum3A_13 = arith.constant dense<0.000000e+00> : vector<2048xf32>
      %reduce_sum3A_14 = vector.multi_reduction <add>, %mul3A_12, %reduce_sum3A_13 [0] : vector<64x2048xf32> to vector<2048xf32>
      %broadcast_in_dim3A = vector.shape_cast %reduce_sum3A_14 : vector<2048xf32> to vector<1x2048xf32>
      %sqrt3A = math.sqrt %broadcast_in_dim3A : vector<1x2048xf32>
      %max3A = arith.constant 9.99999974E-6 : f32
      %max3A_15 = vector.broadcast %max3A : f32 to vector<1x2048xf32>
      %max3A_16 = arith.maximumf %sqrt3A, %max3A_15 : vector<1x2048xf32>
      %div3A = vector.broadcast %max3A_16 : vector<1x2048xf32> to vector<64x2048xf32>
      %div3A_17 = arith.divf %mul3A_11, %div3A : vector<64x2048xf32>
      %transpose3A = tpu.transpose %div3A_17, [1, 0] : vector<64x2048xf32> -> vector<2048x64xf32>
      %swap3A = arith.constant 0 : index
      %swap3A_18 = arith.constant 0 : index
      %swap3A_19 = vector.load %arg3[%swap3A, %swap3A_18] : memref<2048x64xf32, #tpu.memory_space<vmem>>, vector<2048x64xf32>
      tpu.vector_store %arg3[%swap3A, %swap3A_18], %transpose3A {strides = array<i32>} : memref<2048x64xf32, #tpu.memory_space<vmem>>, vector<2048x64xf32>,
    } else {
    }
    %eq3A = arith.constant 49 : i32
    %eq3A_2 = arith.cmpi eq, %arg0, %eq3A : i32
    %convert_element_type3A_3 = arith.extui %eq3A_2 : i1 to i32
    %cond3A_4 = arith.constant 0 : i32
    %cond3A_5 = arith.cmpi ne, %convert_element_type3A_3, %cond3A_4 : i32
    scf.if %cond3A_5 {
      %get3A = arith.constant 0 : index
      %get3A_6 = arith.constant 0 : index
      %get3A_7 = vector.load %arg2[%get3A, %get3A_6] : memref<1x64xf32, #tpu.memory_space<vmem>>, vector<1x64xf32>
      %mul3A = arith.mulf %get3A_7, %get3A_7 : vector<1x64xf32>
      %reduce_sum3A = arith.constant dense<0.000000e+00> : vector<1xf32>
      %reduce_sum3A_8 = vector.multi_reduction <add>, %mul3A, %reduce_sum3A [1] : vector<1x64xf32> to vector<1xf32>
      %broadcast_in_dim3A = vector.shape_cast %reduce_sum3A_8 : vector<1xf32> to vector<1x1xf32>
      %sqrt3A = math.sqrt %broadcast_in_dim3A : vector<1x1xf32>
      %max3A = arith.constant 9.99999974E-6 : f32
      %max3A_9 = vector.broadcast %max3A : f32 to vector<1x1xf32>
      %max3A_10 = arith.maximumf %sqrt3A, %max3A_9 : vector<1x1xf32>
      %div3A = vector.broadcast %max3A_10 : vector<1x1xf32> to vector<1x64xf32>
      %div3A_11 = arith.divf %get3A_7, %div3A : vector<1x64xf32>
      %broadcast_in_dim3A_12 = vector.shape_cast %div3A_11 : vector<1x64xf32> to vector<1x64xf32>
      %broadcast_in_dim3A_13 = vector.broadcast %broadcast_in_dim3A_12 : vector<1x64xf32> to vector<2048x64xf32>
      %swap3A = arith.constant 0 : index
      %swap3A_14 = arith.constant 0 : index
      %swap3A_15 = vector.load %arg3[%swap3A, %swap3A_14] : memref<2048x64xf32, #tpu.memory_space<vmem>>, vector<2048x64xf32>
      tpu.vector_store %arg3[%swap3A, %swap3A_14], %broadcast_in_dim3A_13 {strides = array<i32>} : memref<2048x64xf32, #tpu.memory_space<vmem>>, vector<2048x64xf32>,
    } else {
    }
    return
  }
  func.func @transform_0(%arg0: i32) -> (i32, i32, i32) {
    %min3A = arith.constant 48 : i32
    %min3A_0 = arith.minsi %arg0, %min3A : i32
    %c0_i32 = arith.constant 0 : i32
    %c0_i32_1 = arith.constant 0 : i32
    %c0_i32_2 = arith.constant 0 : i32
    return %c0_i32, %c0_i32_1, %min3A_0 : i32, i32, i32
  }
  func.func @transform_1(%arg0: i32) -> (i32, i32) {
    %c0_i32 = arith.constant 0 : i32
    %c0_i32_0 = arith.constant 0 : i32
    %c0_i32_1 = arith.constant 0 : i32
    return %c0_i32, %c0_i32_0 : i32, i32
  }
  func.func @transform_2(%arg0: i32) -> (i32, i32) {
    %c0_i32 = arith.constant 0 : i32
    %c0_i32_0 = arith.constant 0 : i32
    return %arg0, %c0_i32 : i32, i32
  }
}

</mosaic_0001>

<sc_bundles>
// kernel: kernel.5.cloned.1.call-start
scs
__scs_entry_jumppad:
0x0: {  	(pc) =	sbr.rel $0x88, $3  }
0x1: {  	(tag) =	ssettag $0x0;
	lr =	simm.s32 $0x1  }
0x2: {  	[smem:$0x3F9E] =	sst lr;
	_ =	strace $0xD0000000  }
0x3: {  	_ = 	snop  }
0x4: {  	_ = 	snop  }
0x5: {  	_ = 	snop  }
0x6: {  	_ = 	snop  }
0x7: {  	_ = 	snop  }
__scs_overlays_trampoline_lowered:
0x8: {  	[smem:$0x3FAD] =	sst s0  }
0x9: {  	[smem:$0x3FAE] =	sst s1  }
0xa: {  	[smem:$0x3FAF] =	sst s2  }
0xb: {  	[smem:$0x3FB0] =	sst s3  }
0xc: {  	[smem:$0x3FB1] =	sst s4  }
0xd: {  	[smem:$0x3FB2] =	sst s5  }
0xe: {  	[smem:$0x3FB3] =	sst s6  }
0xf: {  	[smem:$0x3FB4] =	sst s7  }
0x10: {  	[smem:$0x3FB5] =	sst s8  }
0x11: {  	[smem:$0x3FB6] =	sst s9;
	s0 =	simm.s32 @!p0 $0x0  }
0x12: {  	s1 =	sld [smem:$0x3F9C];
	s0 =	simm.s32 @p0 $0x1  }
0x13: {  	[smem:$0x3FB7] =	sst s0;
	s0 =	simm.s32 @!p1 $0x0  }
0x14: {  	s2 =	sld [smem:$0x3F9B];
	s0 =	simm.s32 @p1 $0x1  }
0x15: {  	[smem:$0x3FB8] =	sst s0;
	s0 =	simm.s32 @!p2 $0x0  }
0x16: {  	s3 =	sld [smem:$0x3FDB];
	s0 =	simm.s32 @p2 $0x1  }
0x17: {  	s4 =	simm.s32 $0x1BF5;
	[smem:$0x3FBA] =	sst s0  }
0x18: {  	s0 =	sld [smem:$0x3F9D];
	_ =	swait.ge [sflag:s4], $0x0  }
0x19: {  	s7 =	sld [smem:$0x3F9E]  }
0x1a: {  	s8 =	sadd.s32 $0xFFFFE003, lr  }
0x1b: {  	s9 =	sadd.s32 $0xFFFFFEF7, lr;
	s5 =	simm.s32 $0xFFFFFFFF;
	p2 =	slt.u32 s8, $0xFFFFF086  }
0x1c: {  	p1 =	slt.u32 s9, $0xF7A;
	s5 =	simm.s32 @!p2 $0x0  }
0x1d: {  	s5 =	simm.s32 @p1 $0x1;
	p0 =	seq.s32 s7, s2  }
0x1e: {  	s7 =	smul.u32 @!p0 $0xF7A, s2;
	p2 =	seq.s32 @!p0 s5, $0x0  }
0x1f: {  	s9 =	smul.u32 $0xF7A, s1;
	s8 =	simm.s32 @!p0 $0x1BF5;
	p2 =	por !p2, p0  }
0x20: {  	[sflag:s8] =	ssyncset.s32 @!p0 $0xFFFFF086;
	s6 =	sadd.s32 @!p0 s3, s7;
	s7 =	simm.s32 @!p0 $0x108  }
0x21: {  	s3 =	sadd.s32 s3, s9;
	s6 =	sadd.s32 @!p0 $0x88, s6;
	s7 =	simm.s32 @p2 $0x1082  }
0x22: {  	[simem:s7], [sflag:s8] =	dma.local @!p0 [hbm:s6], $0xF7A  }
0x23: {  	s9 =	sor.u32 $0xD0000000, s2;
	s6 =	simm.s32 $0x108;
	_ =	swait.ge @!p0 [sflag:s8], $0x0  }
0x24: {  	s3 =	sadd.s32 $0x88, s3;
	s6 =	simm.s32 @!p1 $0x1082;
	[sflag:s4] =	ssyncset.s32 $0xFFFFF086  }
0x25: {  	[simem:s6], [sflag:s4] =	dma.local [hbm:s3], $0xF7A  }
0x26: {  	[smem:$0x3F9E] =	sst s1;
	(tag) =	ssettag s2;
	_ =	strace s9  }
0x27: {  	s1 =	sld [smem:$0x3FAE]  }
0x28: {  	s2 =	sld [smem:$0x3FAF]  }
0x29: {  	s4 =	sld [smem:$0x3FB1]  }
0x2a: {  	p0 =	seq.s32 s5, $0x0;
	s5 =	sld [smem:$0x3FB2]  }
0x2b: {  	s6 =	sld [smem:$0x3FB3]  }
0x2c: {  	s7 =	sld [smem:$0x3FB4]  }
0x2d: {  	s3 =	simm.s32 $0x108;
	s8 =	sld [smem:$0x3FB5]  }
0x2e: {  	s3 =	simm.s32 @!p0 $0x1082;
	s9 =	sld [smem:$0x3FB6]  }
0x2f: {  	lr =	sadd.s32 s0, s3;
	s0 =	sld [smem:$0x3FAD]  }
0x30: {  	s3 =	sld [smem:$0x3FB0]  }
0x31: {  	[smem:$0x3FB9] =	sst s10  }
0x32: {  	s10 =	sld [smem:$0x3FB7];
	_ =	sdelay $0x3  }
0x33: {  	p0 =	seq.s32 s10, $0x1;
	s10 =	sld [smem:$0x3FB9];
	_ =	sdelay $0x3  }
0x34: {  	[smem:$0x3FB9] =	sst s10  }
0x35: {  	s10 =	sld [smem:$0x3FB8];
	_ =	sdelay $0x3  }
0x36: {  	p1 =	seq.s32 s10, $0x1;
	s10 =	sld [smem:$0x3FB9];
	_ =	sdelay $0x3  }
0x37: {  	[smem:$0x3FB9] =	sst s10  }
0x38: {  	s10 =	sld [smem:$0x3FBA]  }
0x39: {  	_ = 	snop;
	(pc) =	sbr.ind lr, $3  }
0x3a: {  	_ = 	snop  }
0x3b: {  	_ = 	snop  }
0x3c: {  	p2 =	seq.s32 s10, $0x1;
	s10 =	sld [smem:$0x3FB9]  }
0x3d: {  	_ =	shalt  }
0x3e: {  	_ =	shalt  }
0x3f: {  	_ =	shalt  }
0x40: {  	_ =	shalt  }
0x41: {  	_ =	shalt  }
0x42: {  	_ =	shalt  }
0x43: {  	_ =	shalt  }
0x44: {  	_ =	shalt  }
0x45: {  	_ =	shalt  }
0x46: {  	_ =	shalt  }
0x47: {  	_ =	shalt  }
0x48: {  	_ =	shalt  }
0x49: {  	_ =	shalt  }
0x4a: {  	_ =	shalt  }
0x4b: {  	_ =	shalt  }
0x4c: {  	_ =	shalt  }
0x4d: {  	_ =	shalt  }
0x4e: {  	_ =	shalt  }
0x4f: {  	_ =	shalt  }
0x50: {  	_ =	shalt  }
0x51: {  	_ =	shalt  }
0x52: {  	_ =	shalt  }
0x53: {  	_ =	shalt  }
0x54: {  	_ =	shalt  }
0x55: {  	_ =	shalt  }
0x56: {  	_ =	shalt  }
0x57: {  	_ =	shalt  }
0x58: {  	_ =	shalt  }
0x59: {  	_ =	shalt  }
0x5a: {  	_ =	shalt  }
0x5b: {  	_ =	shalt  }
0x5c: {  	_ =	shalt  }
0x5d: {  	_ =	shalt  }
0x5e: {  	_ =	shalt  }
0x5f: {  	_ =	shalt  }
0x60: {  	_ =	shalt  }
0x61: {  	_ =	shalt  }
0x62: {  	_ =	shalt  }
0x63: {  	_ =	shalt  }
0x64: {  	_ =	shalt  }
0x65: {  	_ =	shalt  }
0x66: {  	_ =	shalt  }
0x67: {  	_ =	shalt  }
0x68: {  	_ =	shalt  }
0x69: {  	_ =	shalt  }
0x6a: {  	_ =	shalt  }
0x6b: {  	_ =	shalt  }
0x6c: {  	_ =	shalt  }
0x6d: {  	_ =	shalt  }
0x6e: {  	_ =	shalt  }
0x6f: {  	_ =	shalt  }
0x70: {  	_ =	shalt  }
0x71: {  	_ =	shalt  }
0x72: {  	_ =	shalt  }
0x73: {  	_ =	shalt  }
0x74: {  	_ =	shalt  }
0x75: {  	_ =	shalt  }
0x76: {  	_ =	shalt  }
0x77: {  	_ =	shalt  }
0x78: {  	_ =	shalt  }
0x79: {  	_ =	shalt  }
0x7a: {  	_ =	shalt  }
0x7b: {  	_ =	shalt  }
0x7c: {  	_ =	shalt  }
0x7d: {  	_ =	shalt  }
0x7e: {  	_ =	shalt  }
0x7f: {  	_ =	shalt  }
0x80: {  	_ =	shalt  }
0x81: {  	_ =	shalt  }
0x82: {  	_ =	shalt  }
0x83: {  	_ =	shalt  }
0x84: {  	_ =	shalt  }
0x85: {  	_ =	shalt  }
0x86: {  	_ =	shalt  }
0x87: {  	_ =	shalt  }
.Lfunc_end0:
.L_simem_size_0:
called_computation.1_lowered:
.L_overlay_start_0:
0x88: {  	s2 =	sld [smem:$0x3FD9]  }
0x89: {  	s3 =	sld [smem:$0x3FFE];
	_ =	sdelay $0x1  }
0x8a: {  	s1 =	srdreg.scid  }
0x8b: {  	s0 =	sand.u32 $0x1, s1  }
0x8c: {  	s16 =	sshll.u32 s0, $0xA;
	s2 =	sadd.s32 s3, s2  }
0x8d: {  	s2 =	sadd.s32 s2, s16  }
0x8e: {  	[smem:$0x3FC5] =	sst s2  }
0x8f: {  	_ = 	snop  }
0x90: {  	(tm) =	ssettm $0x1  }
0x91: {  	s17 =	sld [smem:$0x3FFB];
	_ =	sdelay $0x3  }
0x92: {  	_ =	strace s17  }
0x93: {  	s2 =	sld [smem:$0x3FFC];
	_ =	sdelay $0x3  }
0x94: {  	_ =	strace s2  }
0x95: {  	s2 =	sld [smem:$0x3FFD];
	_ =	sdelay $0x3  }
0x96: {  	_ =	strace s2  }
0x97: {  	_ =	strace $0x8FFFFFFF  }
0x98: {  	s18 =	sld [smem:$0x3FDB];
	_ =	sdelay $0x1  }
0x99: {  	s19 =	simm.s32 $_scs_section_size  }
0x9a: {  	s4 =	simm.s32 $_size__tile_overlayer_lowered;
	s5 =	simm.s32 $_tile_overlayer_lowered  }
0x9b: {  	s22 =	simm.s32 $0x1BFF;
	s21 =	sshll.u32 s5, $0x1;
	s2 =	sadd.s32 s19, s18  }
0x9c: {  	s6 =	simm.s32 $0x0;
	s20 =	sshll.u32 s4, $0x1;
	s4 =	sadd.s32 s21, s2  }
0x9d: {  	[timem:s6], [sflag:s22] =	dma.local [hbm:s4], s20  }
0x9e: {  	_ =	swait.ge [sflag:s22], s20  }
0x9f: {  	s3 =	ssub.s32 $0x0, s20;
	[sflag:s22] =	ssyncset.done $0x0  }
0xa0: {  	[sflag:s22] =	ssyncadd.s32 s3;
	_ =	sdelay $0x1  }
0xa1: {  	s23 =	simm.s32 $0x1B8B  }
0xa2: {  	_ =	swait.ge [sflag:s23], $0x1  }
0xa3: {  	[sflag:s23] =	ssyncset.done $0x0  }
0xa4: {  	s25 =	simm.s32 $0x1B8E;
	s24 =	sld [smem:$0x3FFE];
	[sflag:s23] =	ssyncadd.s32 $0xFFFFFFFF  }
0xa5: {  	s26 =	simm.s32 $execute0_lowered;
	[smem:$0x3FD2] =	sst s25  }
0xa6: {  	s4 =	sshll.u32 s26, $0x1;
	_ =	strace $0x80000046;
	[dreg:$0x1] =	wrdreg $0xFFFFFFFF  }
0xa7: {  	s28 =	simm.s32 $_size_execute0_lowered;
	s2 =	sadd.s32 s2, s4;
	[dreg:$0x0] =	wrdreg $0x0  }
0xa8: {  	s4 =	sshll.u32 s28, $0x1;
	[dreg:$0x2] =	wrdreg s2  }
0xa9: {  	[dreg:$0x3] =	wrdreg s4  }
0xaa: {  	[dreg:$0x4] =	wrdreg $0xC0  }
0xab: {  	_ =	task [dreg:s6], $0x5FFFF  }
0xac: {  	[dreg:$0x1] =	wrdreg $0xFFFFFFFF  }
0xad: {  	[dreg:$0x0] =	wrdreg $0x60  }
0xae: {  	[dreg:$0x2] =	wrdreg s24  }
0xaf: {  	[dreg:$0x3] =	wrdreg $0x9  }
0xb0: {  	_ =	task.clear_ibuf [dreg:s6], $0x4FFFF;
	_ =	strace $0x90000046  }
0xb1: {  	s29 =	simm.s32 $0x9;
	_ =	strace $0x80000048  }
0xb2: {  	_ =	swait.ge [sflag:s29], $0x1  }
0xb3: {  	[sflag:s29] =	ssyncadd.s32 $0xFFFFFFFF  }
0xb4: {  	_ =	strace $0x90000048  }
0xb5: {  	_ =	sfence  }
0xb6: {  	s30 =	sld [smem:$0x0];
	_ =	sdelay $0x2  }
0xb7: {  	s31 =	sshll.u32 s1, $0xD;
	s1 =	sshrl.u32 s1, $0x2  }
0xb8: {  	s3 =	sand.u32 $0x4000, s31;
	s1 =	sadd.s32 s1, s30  }
0xb9: {  	s0 =	sor.u32 s3, s0;
	s1 =	sshll.u32 s1, $0x11  }
0xba: {  	s0 =	sor.u32 s1, s0  }
0xbb: {  	s0 =	sadd.s32 $0x8F2B, s0  }
0xbc: {  	[sflag:s0] =	ssyncadd.remote.s32 $0x1  }
0xbd: {  	_ =	sfence.sel $0xFFFF  }
0xbe: {  	[dreg:$0x0] =	wrdreg $0xFFFFFFFF;
	(pc) =	sbr.abs _section_cstart, $3  }
0xbf: {  	[dreg:$0x1] =	wrdreg $0xFFFFFFFF  }
0xc0: {  	_ =	task.clear_ibuf [dreg:s6], $0x2FFFF;
	_ =	strace $0x9FFFFFFF  }
0xc1: {  	(tm) =	ssettm $0x7FFFFFFF  }
tec
execute0_lowered:
.L_overlay_start_1:
0x0: {  	(tag) =	ssettag $0x1  }
0x1: {  	s4 =	rddreg [dreg:$0x0];
	s2 =	srdreg.scid  }
0x2: {  	s0 =	rddreg [dreg:$0x1];
	s1 =	stileid.u32  }
0x3: {  	s5 =	sand.u32 $0x1, s2;
	s2 =	simm.s32 $0x0;
	s3 =	sshll.u32 s1, $0x8  }
0x4: {  	s8 =	sshll.u32 s1, $0xF;
	s31 =	sadd.s32 $0xE1C00, s4;
	s6 =	sshll.u32 s5, $0x7  }
0x5: {  	[smem:$0x7FF] =	sst s2;
	s7 =	ssub.s32 $0x2, s5;
	s5 =	sshll.u32 s5, $0xE  }
0x6: {  	s6 =	sor.u32 s6, s3;
	_ =	strace $0x80000047;
	s3 =	sadd.s32 $0x19C00, s4  }
0x7: {  	s9 =	sshrl.u32 s7, $0x1;
	s5 =	sor.u32 s5, s8;
	s8 =	simm.s32 $0x3  }
0x8: {  	s6 =	sshrl.u32 s6, $0x3;
	s7 =	ssub.s32 s7, s9;
	s10 =	sshrl.u32 s5, $0x3  }
0x9: {  	s12 =	sor.u32 $0x80000, s5;
	s14 =	sor.u32 $0x480000, s5;
	s18 =	sor.u32 $0x380000, s5  }
0xa: {  	s20 =	sor.u32 $0x300000, s5;
	s21 =	sor.u32 $0x280000, s5;
	s25 =	sor.u32 $0x200000, s5  }
0xb: {  	s28 =	sor.u32 $0x180000, s5;
	s6 =	sadd.s32 s6, s4;
	s11 =	sadd.s32 s10, s31  }
0xc: {  	s13 =	sshrl.u32 s12, $0x3;
	s9 =	sshrl.u32 s14, $0x3;
	s10 =	sor.u32 $0x400000, s5  }
0xd: {  	s19 =	sshrl.u32 s18, $0x3;
	s23 =	sshrl.u32 s21, $0x3;
	s26 =	sshrl.u32 s25, $0x3  }
0xe: {  	s5 =	sor.u32 $0x100000, s5;
	s12 =	simm.s32 $0xC400;
	s14 =	simm.s32 $0x10400  }
0xf: {  	s18 =	simm.s32 $0x18400;
	s21 =	simm.s32 $0x2;
	s4 =	sadd.s32 $0xC00, s6  }
0x10: {  	[dreg:$0x2] =	wrdreg s11;
	s6 =	sadd.s32 s13, s31;
	s15 =	sadd.s32 s9, s31  }
0x11: {  	s16 =	sshrl.u32 s10, $0x3;
	s9 =	sshrl.u32 s20, $0x3;
	s24 =	sadd.s32 s23, s31  }
0x12: {  	s30 =	sshrl.u32 s5, $0x3;
	s5 =	smax.u32 s7, $0x1;
	s7 =	simm.s32 $0x1000  }
0x13: {  	s10 =	simm.s32 $0x8400;
	s11 =	simm.s32 $0xA400;
	[dreg:$0x3] =	wrdreg s6  }
0x14: {  	s13 =	simm.s32 $0xE400;
	s20 =	simm.s32 $0x40;
	[dreg:$0x4] =	wrdreg s15  }
0x15: {  	s17 =	sadd.s32 s16, s31;
	s6 =	sadd.s32 s19, s31;
	[dreg:$0x8] =	wrdreg s24  }
0x16: {  	s22 =	sadd.s32 s9, s31;
	s9 =	sshrl.u32 s28, $0x3;
	[dreg:$0x5] =	wrdreg s17  }
0x17: {  	s15 =	simm.s32 $0x12400;
	s16 =	simm.s32 $0x14400;
	[dreg:$0x6] =	wrdreg s6  }
0x18: {  	s19 =	simm.s32 $0x1;
	[dreg:$0x7] =	wrdreg s22;
	s6 =	sadd.s32 s26, s31  }
0x19: {  	s29 =	sadd.s32 s9, s31;
	s31 =	sadd.s32 s30, s31;
	[dreg:$0x9] =	wrdreg s6  }
0x1a: {  	s9 =	simm.s32 $0x6400;
	s17 =	simm.s32 $0x16400;
	[dreg:$0xa] =	wrdreg s29  }
0x1b: {  	s22 =	simm.s32 $0x0;
	[dreg:$0xb] =	wrdreg s31;
	s6 =	simm.s32 $0x80  }
.LBB2_1:
0x1c: {  	[tilespmem:s2], [sflag:$0x3] =	stream.strided.gather [hbm4b:s4+s6], $0x6400, s7, s6, $0x38;
	[tilespmem:$0x1A400] =	vst v63  }
0x1d: {  	_ =	swait.ge [sflag:s8], $0x6400  }
0x1e: {  	[sflag:s8] =	ssyncset.done $0x0  }
0x1f: {  	[sflag:s8] =	ssyncadd.s32 $0xFFFF9C00  }
0x20: {  	[tilespmem:s9], [sflag:$0x1] =	stream.indirect.gather [hbm4b:s3+s6], $0x40, s2, s6, $0xb8;
	[tilespmem:$0x1A400] =	vst v63  }
0x21: {  	s23 =	simm.s32 $0x80  }
0x22: {  	[tilespmem:s10], [sflag:$0x1] =	stream.indirect.gather [hbm4b:s3+s6], $0x40, s23, s6, $0xb8;
	[tilespmem:$0x1A400] =	vst v63  }
0x23: {  	s25 =	simm.s32 $0x100  }
0x24: {  	[tilespmem:s11], [sflag:$0x1] =	stream.indirect.gather [hbm4b:s3+s6], $0x40, s25, s6, $0xb8;
	[tilespmem:$0x1A400] =	vst v63  }
0x25: {  	s26 =	simm.s32 $0x180  }
0x26: {  	[tilespmem:s12], [sflag:$0x1] =	stream.indirect.gather [hbm4b:s3+s6], $0x40, s26, s6, $0xb8;
	[tilespmem:$0x1A400] =	vst v63  }
0x27: {  	s28 =	simm.s32 $0x200  }
0x28: {  	[tilespmem:s13], [sflag:$0x1] =	stream.indirect.gather [hbm4b:s3+s6], $0x40, s28, s6, $0xb8;
	[tilespmem:$0x1A400] =	vst v63  }
0x29: {  	s29 =	simm.s32 $0x280  }
0x2a: {  	[tilespmem:s14], [sflag:$0x1] =	stream.indirect.gather [hbm4b:s3+s6], $0x40, s29, s6, $0xb8;
	[tilespmem:$0x1A400] =	vst v63  }
0x2b: {  	s30 =	simm.s32 $0x300  }
0x2c: {  	[tilespmem:s15], [sflag:$0x1] =	stream.indirect.gather [hbm4b:s3+s6], $0x40, s30, s6, $0xb8;
	[tilespmem:$0x1A400] =	vst v63  }
0x2d: {  	s31 =	simm.s32 $0x380  }
0x2e: {  	[tilespmem:s16], [sflag:$0x1] =	stream.indirect.gather [hbm4b:s3+s6], $0x40, s31, s6, $0xb8;
	[tilespmem:$0x1A400] =	vst v63  }
0x2f: {  	s24 =	simm.s32 $0x400  }
0x30: {  	[tilespmem:s17], [sflag:$0x1] =	stream.indirect.gather [hbm4b:s3+s6], $0x40, s24, s6, $0xb8;
	[tilespmem:$0x1A400] =	vst v63  }
0x31: {  	s25 =	simm.s32 $0x480  }
0x32: {  	[tilespmem:s18], [sflag:$0x1] =	stream.indirect.gather [hbm4b:s3+s6], $0x40, s25, s6, $0xb8;
	[tilespmem:$0x1A400] =	vst v63  }
0x33: {  	_ =	swait.ge [sflag:s19], $0x2000  }
0x34: {  	[sflag:s19] =	ssyncset.done $0x0  }
0x35: {  	[sflag:s19] =	ssyncadd.s32 $0xFFFFE000  }
0x36: {  	_ =	swait.ge [sflag:s19], $0x2000  }
0x37: {  	[sflag:s19] =	ssyncset.done $0x0  }
0x38: {  	[sflag:s19] =	ssyncadd.s32 $0xFFFFE000  }
0x39: {  	_ =	swait.ge [sflag:s19], $0x2000  }
0x3a: {  	[sflag:s19] =	ssyncset.done $0x0  }
0x3b: {  	[sflag:s19] =	ssyncadd.s32 $0xFFFFE000  }
0x3c: {  	_ =	swait.ge [sflag:s19], $0x2000  }
0x3d: {  	[sflag:s19] =	ssyncset.done $0x0  }
0x3e: {  	[sflag:s19] =	ssyncadd.s32 $0xFFFFE000  }
0x3f: {  	_ =	swait.ge [sflag:s19], $0x2000  }
0x40: {  	[sflag:s19] =	ssyncset.done $0x0  }
0x41: {  	[sflag:s19] =	ssyncadd.s32 $0xFFFFE000  }
0x42: {  	_ =	swait.ge [sflag:s19], $0x2000  }
0x43: {  	[sflag:s19] =	ssyncset.done $0x0  }
0x44: {  	[sflag:s19] =	ssyncadd.s32 $0xFFFFE000  }
0x45: {  	_ =	swait.ge [sflag:s19], $0x2000  }
0x46: {  	[sflag:s19] =	ssyncset.done $0x0  }
0x47: {  	[sflag:s19] =	ssyncadd.s32 $0xFFFFE000  }
0x48: {  	_ =	swait.ge [sflag:s19], $0x2000  }
0x49: {  	[sflag:s19] =	ssyncset.done $0x0  }
0x4a: {  	[sflag:s19] =	ssyncadd.s32 $0xFFFFE000  }
0x4b: {  	_ =	swait.ge [sflag:s19], $0x2000  }
0x4c: {  	[sflag:s19] =	ssyncset.done $0x0  }
0x4d: {  	[sflag:s19] =	ssyncadd.s32 $0xFFFFE000  }
0x4e: {  	_ =	swait.ge [sflag:s19], $0x2000  }
0x4f: {  	s26 =	rddreg [dreg:$0x2];
	[sflag:s19] =	ssyncset.done $0x0  }
0x50: {  	s24 =	rddreg [dreg:$0x3];
	[sflag:s19] =	ssyncadd.s32 $0xFFFFE000;
	s23 =	sadd.s32 $0x0, s26  }
0x51: {  	[hbm4b:s23+s20] =	stream.strided.scatter [tilespmem:s9], [sflag:$0x2], $0x2000, s6, s20, $0x38;
	[tilespmem:$0x1A400] =	vst v63  }
0x52: {  	s25 =	rddreg [dreg:$0xb];
	s28 =	sadd.s32 $0x0, s24  }
0x53: {  	[hbm4b:s28+s20] =	stream.strided.scatter [tilespmem:s10], [sflag:$0x2], $0x2000, s6, s20, $0x38;
	[tilespmem:$0x1A400] =	vst v63  }
0x54: {  	s29 =	rddreg [dreg:$0xa];
	s30 =	sadd.s32 $0x0, s25  }
0x55: {  	[hbm4b:s30+s20] =	stream.strided.scatter [tilespmem:s11], [sflag:$0x2], $0x2000, s6, s20, $0x38;
	[tilespmem:$0x1A400] =	vst v63  }
0x56: {  	s31 =	rddreg [dreg:$0x9];
	s24 =	sadd.s32 $0x0, s29  }
0x57: {  	[hbm4b:s24+s20] =	stream.strided.scatter [tilespmem:s12], [sflag:$0x2], $0x2000, s6, s20, $0x38;
	[tilespmem:$0x1A400] =	vst v63  }
0x58: {  	s26 =	rddreg [dreg:$0x8];
	s28 =	sadd.s32 $0x0, s31  }
0x59: {  	[hbm4b:s28+s20] =	stream.strided.scatter [tilespmem:s13], [sflag:$0x2], $0x2000, s6, s20, $0x38;
	[tilespmem:$0x1A400] =	vst v63  }
0x5a: {  	s29 =	rddreg [dreg:$0x7];
	s30 =	sadd.s32 $0x0, s26  }
0x5b: {  	[hbm4b:s30+s20] =	stream.strided.scatter [tilespmem:s14], [sflag:$0x2], $0x2000, s6, s20, $0x38;
	[tilespmem:$0x1A400] =	vst v63  }
0x5c: {  	s25 =	sadd.s32 $0x0, s29;
	s31 =	rddreg [dreg:$0x6]  }
0x5d: {  	[hbm4b:s25+s20] =	stream.strided.scatter [tilespmem:s15], [sflag:$0x2], $0x2000, s6, s20, $0x38;
	[tilespmem:$0x1A400] =	vst v63  }
0x5e: {  	s26 =	rddreg [dreg:$0x5];
	s28 =	sadd.s32 $0x0, s31  }
0x5f: {  	[hbm4b:s28+s20] =	stream.strided.scatter [tilespmem:s16], [sflag:$0x2], $0x2000, s6, s20, $0x38;
	[tilespmem:$0x1A400] =	vst v63  }
0x60: {  	s29 =	rddreg [dreg:$0x4];
	s30 =	sadd.s32 $0x0, s26  }
0x61: {  	[hbm4b:s30+s20] =	stream.strided.scatter [tilespmem:s17], [sflag:$0x2], $0x2000, s6, s20, $0x38;
	[tilespmem:$0x1A400] =	vst v63  }
0x62: {  	s31 =	sadd.s32 $0x0, s29  }
0x63: {  	[hbm4b:s31+s20] =	stream.strided.scatter [tilespmem:s18], [sflag:$0x2], $0x2000, s6, s20, $0x38;
	[tilespmem:$0x1A400] =	vst v63  }
0x64: {  	_ =	swait.ge [sflag:s21], $0x2000  }
0x65: {  	[sflag:s21] =	ssyncset.done $0x0  }
0x66: {  	[sflag:s21] =	ssyncadd.s32 $0xFFFFE000  }
0x67: {  	_ =	swait.ge [sflag:s21], $0x2000  }
0x68: {  	[sflag:s21] =	ssyncset.done $0x0  }
0x69: {  	[sflag:s21] =	ssyncadd.s32 $0xFFFFE000  }
0x6a: {  	_ =	swait.ge [sflag:s21], $0x2000  }
0x6b: {  	[sflag:s21] =	ssyncset.done $0x0  }
0x6c: {  	[sflag:s21] =	ssyncadd.s32 $0xFFFFE000  }
0x6d: {  	_ =	swait.ge [sflag:s21], $0x2000  }
0x6e: {  	[sflag:s21] =	ssyncset.done $0x0  }
0x6f: {  	[sflag:s21] =	ssyncadd.s32 $0xFFFFE000  }
0x70: {  	_ =	swait.ge [sflag:s21], $0x2000  }
0x71: {  	[sflag:s21] =	ssyncset.done $0x0  }
0x72: {  	[sflag:s21] =	ssyncadd.s32 $0xFFFFE000  }
0x73: {  	_ =	swait.ge [sflag:s21], $0x2000  }
0x74: {  	[sflag:s21] =	ssyncset.done $0x0  }
0x75: {  	[sflag:s21] =	ssyncadd.s32 $0xFFFFE000  }
0x76: {  	_ =	swait.ge [sflag:s21], $0x2000  }
0x77: {  	[sflag:s21] =	ssyncset.done $0x0  }
0x78: {  	[sflag:s21] =	ssyncadd.s32 $0xFFFFE000  }
0x79: {  	_ =	swait.ge [sflag:s21], $0x2000  }
0x7a: {  	[sflag:s21] =	ssyncset.done $0x0  }
0x7b: {  	[sflag:s21] =	ssyncadd.s32 $0xFFFFE000  }
0x7c: {  	_ =	swait.ge [sflag:s21], $0x2000  }
0x7d: {  	[sflag:s21] =	ssyncset.done $0x0  }
0x7e: {  	[sflag:s21] =	ssyncadd.s32 $0xFFFFE000  }
0x7f: {  	_ =	swait.ge [sflag:s21], $0x2000  }
0x80: {  	s23 =	simm.s32 $0xA0000;
	s24 =	simm.s32 $0x0;
	[sflag:s21] =	ssyncset.done $0x0  }
.LBB2_2:
0x81: {  	[sflag:s21] =	ssyncadd.s32 $0xFFFFE000;
	s24 =	sadd.s32 $0x500, s24  }
0x82: {  	[tilespmem:s9], [sflag:$0x1] =	stream.indirect.gather [hbm4b:s3+s6], $0x40, s24, s6, $0xb8;
	[tilespmem:$0x1A400] =	vst v63  }
0x83: {  	s26 =	sadd.s32 $0x80, s24  }
0x84: {  	[tilespmem:s10], [sflag:$0x1] =	stream.indirect.gather [hbm4b:s3+s6], $0x40, s26, s6, $0xb8;
	[tilespmem:$0x1A400] =	vst v63  }
0x85: {  	s29 =	sadd.s32 $0x100, s24  }
0x86: {  	[tilespmem:s11], [sflag:$0x1] =	stream.indirect.gather [hbm4b:s3+s6], $0x40, s29, s6, $0xb8;
	[tilespmem:$0x1A400] =	vst v63  }
0x87: {  	s30 =	sadd.s32 $0x180, s24  }
0x88: {  	[tilespmem:s12], [sflag:$0x1] =	stream.indirect.gather [hbm4b:s3+s6], $0x40, s30, s6, $0xb8;
	[tilespmem:$0x1A400] =	vst v63  }
0x89: {  	s31 =	sadd.s32 $0x200, s24  }
0x8a: {  	[tilespmem:s13], [sflag:$0x1] =	stream.indirect.gather [hbm4b:s3+s6], $0x40, s31, s6, $0xb8;
	[tilespmem:$0x1A400] =	vst v63  }
0x8b: {  	s28 =	sadd.s32 $0x280, s24  }
0x8c: {  	[tilespmem:s14], [sflag:$0x1] =	stream.indirect.gather [hbm4b:s3+s6], $0x40, s28, s6, $0xb8;
	[tilespmem:$0x1A400] =	vst v63  }
0x8d: {  	s29 =	sadd.s32 $0x300, s24  }
0x8e: {  	[tilespmem:s15], [sflag:$0x1] =	stream.indirect.gather [hbm4b:s3+s6], $0x40, s29, s6, $0xb8;
	[tilespmem:$0x1A400] =	vst v63  }
0x8f: {  	s30 =	sadd.s32 $0x380, s24  }
0x90: {  	[tilespmem:s16], [sflag:$0x1] =	stream.indirect.gather [hbm4b:s3+s6], $0x40, s30, s6, $0xb8;
	[tilespmem:$0x1A400] =	vst v63  }
0x91: {  	s31 =	sadd.s32 $0x400, s24  }
0x92: {  	[tilespmem:s17], [sflag:$0x1] =	stream.indirect.gather [hbm4b:s3+s6], $0x40, s31, s6, $0xb8;
	[tilespmem:$0x1A400] =	vst v63  }
0x93: {  	s28 =	sadd.s32 $0x480, s24  }
0x94: {  	[tilespmem:s18], [sflag:$0x1] =	stream.indirect.gather [hbm4b:s3+s6], $0x40, s28, s6, $0xb8;
	[tilespmem:$0x1A400] =	vst v63  }
0x95: {  	_ =	swait.ge [sflag:s19], $0x2000  }
0x96: {  	[sflag:s19] =	ssyncset.done $0x0  }
0x97: {  	[sflag:s19] =	ssyncadd.s32 $0xFFFFE000  }
0x98: {  	_ =	swait.ge [sflag:s19], $0x2000  }
0x99: {  	[sflag:s19] =	ssyncset.done $0x0  }
0x9a: {  	[sflag:s19] =	ssyncadd.s32 $0xFFFFE000  }
0x9b: {  	_ =	swait.ge [sflag:s19], $0x2000  }
0x9c: {  	[sflag:s19] =	ssyncset.done $0x0  }
0x9d: {  	[sflag:s19] =	ssyncadd.s32 $0xFFFFE000  }
0x9e: {  	_ =	swait.ge [sflag:s19], $0x2000  }
0x9f: {  	[sflag:s19] =	ssyncset.done $0x0  }
0xa0: {  	[sflag:s19] =	ssyncadd.s32 $0xFFFFE000  }
0xa1: {  	_ =	swait.ge [sflag:s19], $0x2000  }
0xa2: {  	[sflag:s19] =	ssyncset.done $0x0  }
0xa3: {  	[sflag:s19] =	ssyncadd.s32 $0xFFFFE000  }
0xa4: {  	_ =	swait.ge [sflag:s19], $0x2000  }
0xa5: {  	[sflag:s19] =	ssyncset.done $0x0  }
0xa6: {  	[sflag:s19] =	ssyncadd.s32 $0xFFFFE000  }
0xa7: {  	_ =	swait.ge [sflag:s19], $0x2000  }
0xa8: {  	[sflag:s19] =	ssyncset.done $0x0  }
0xa9: {  	[sflag:s19] =	ssyncadd.s32 $0xFFFFE000  }
0xaa: {  	_ =	swait.ge [sflag:s19], $0x2000  }
0xab: {  	[sflag:s19] =	ssyncset.done $0x0  }
0xac: {  	[sflag:s19] =	ssyncadd.s32 $0xFFFFE000  }
0xad: {  	_ =	swait.ge [sflag:s19], $0x2000  }
0xae: {  	[sflag:s19] =	ssyncset.done $0x0  }
0xaf: {  	[sflag:s19] =	ssyncadd.s32 $0xFFFFE000  }
0xb0: {  	_ =	swait.ge [sflag:s19], $0x2000  }
0xb1: {  	s25 =	smov.u32 s23;
	s29 =	rddreg [dreg:$0x2];
	[sflag:s19] =	ssyncset.done $0x0  }
0xb2: {  	s28 =	rddreg [dreg:$0x3];
	[sflag:s19] =	ssyncadd.s32 $0xFFFFE000;
	s26 =	sadd.s32 s25, s29  }
0xb3: {  	[hbm4b:s26+s20] =	stream.strided.scatter [tilespmem:s9], [sflag:$0x2], $0x2000, s6, s20, $0x38;
	[tilespmem:$0x1A400] =	vst v63  }
0xb4: {  	s29 =	rddreg [dreg:$0xb];
	s30 =	sadd.s32 s25, s28  }
0xb5: {  	[hbm4b:s30+s20] =	stream.strided.scatter [tilespmem:s10], [sflag:$0x2], $0x2000, s6, s20, $0x38;
	[tilespmem:$0x1A400] =	vst v63  }
0xb6: {  	s31 =	rddreg [dreg:$0xa];
	s30 =	sadd.s32 s25, s29  }
0xb7: {  	[hbm4b:s30+s20] =	stream.strided.scatter [tilespmem:s11], [sflag:$0x2], $0x2000, s6, s20, $0x38;
	[tilespmem:$0x1A400] =	vst v63  }
0xb8: {  	s31 =	sadd.s32 s25, s31;
	s29 =	rddreg [dreg:$0x9]  }
0xb9: {  	[hbm4b:s31+s20] =	stream.strided.scatter [tilespmem:s12], [sflag:$0x2], $0x2000, s6, s20, $0x38;
	[tilespmem:$0x1A400] =	vst v63  }
0xba: {  	s30 =	rddreg [dreg:$0x8];
	s31 =	sadd.s32 s25, s29  }
0xbb: {  	[hbm4b:s31+s20] =	stream.strided.scatter [tilespmem:s13], [sflag:$0x2], $0x2000, s6, s20, $0x38;
	[tilespmem:$0x1A400] =	vst v63  }
0xbc: {  	s30 =	sadd.s32 s25, s30;
	s29 =	rddreg [dreg:$0x7]  }
0xbd: {  	[hbm4b:s30+s20] =	stream.strided.scatter [tilespmem:s14], [sflag:$0x2], $0x2000, s6, s20, $0x38;
	[tilespmem:$0x1A400] =	vst v63  }
0xbe: {  	s31 =	rddreg [dreg:$0x6];
	s30 =	sadd.s32 s25, s29  }
0xbf: {  	[hbm4b:s30+s20] =	stream.strided.scatter [tilespmem:s15], [sflag:$0x2], $0x2000, s6, s20, $0x38;
	[tilespmem:$0x1A400] =	vst v63  }
0xc0: {  	s31 =	sadd.s32 s25, s31;
	s29 =	rddreg [dreg:$0x5]  }
0xc1: {  	[hbm4b:s31+s20] =	stream.strided.scatter [tilespmem:s16], [sflag:$0x2], $0x2000, s6, s20, $0x38;
	[tilespmem:$0x1A400] =	vst v63  }
0xc2: {  	s30 =	rddreg [dreg:$0x4];
	s31 =	sadd.s32 s25, s29  }
0xc3: {  	[hbm4b:s31+s20] =	stream.strided.scatter [tilespmem:s17], [sflag:$0x2], $0x2000, s6, s20, $0x38;
	[tilespmem:$0x1A400] =	vst v63  }
0xc4: {  	s25 =	sadd.s32 s25, s30  }
0xc5: {  	[hbm4b:s25+s20] =	stream.strided.scatter [tilespmem:s18], [sflag:$0x2], $0x2000, s6, s20, $0x38;
	[tilespmem:$0x1A400] =	vst v63  }
0xc6: {  	_ =	swait.ge [sflag:s21], $0x2000  }
0xc7: {  	[sflag:s21] =	ssyncset.done $0x0  }
0xc8: {  	[sflag:s21] =	ssyncadd.s32 $0xFFFFE000  }
0xc9: {  	_ =	swait.ge [sflag:s21], $0x2000  }
0xca: {  	[sflag:s21] =	ssyncset.done $0x0  }
0xcb: {  	[sflag:s21] =	ssyncadd.s32 $0xFFFFE000  }
0xcc: {  	_ =	swait.ge [sflag:s21], $0x2000  }
0xcd: {  	[sflag:s21] =	ssyncset.done $0x0  }
0xce: {  	[sflag:s21] =	ssyncadd.s32 $0xFFFFE000  }
0xcf: {  	_ =	swait.ge [sflag:s21], $0x2000  }
0xd0: {  	[sflag:s21] =	ssyncset.done $0x0  }
0xd1: {  	[sflag:s21] =	ssyncadd.s32 $0xFFFFE000  }
0xd2: {  	_ =	swait.ge [sflag:s21], $0x2000  }
0xd3: {  	[sflag:s21] =	ssyncset.done $0x0  }
0xd4: {  	[sflag:s21] =	ssyncadd.s32 $0xFFFFE000  }
0xd5: {  	_ =	swait.ge [sflag:s21], $0x2000  }
0xd6: {  	[sflag:s21] =	ssyncset.done $0x0  }
0xd7: {  	[sflag:s21] =	ssyncadd.s32 $0xFFFFE000  }
0xd8: {  	_ =	swait.ge [sflag:s21], $0x2000  }
0xd9: {  	[sflag:s21] =	ssyncset.done $0x0  }
0xda: {  	[sflag:s21] =	ssyncadd.s32 $0xFFFFE000  }
0xdb: {  	_ =	swait.ge [sflag:s21], $0x2000  }
0xdc: {  	[sflag:s21] =	ssyncset.done $0x0  }
0xdd: {  	p0 =	sne.s32 s23, $0xBE0000;
	[sflag:s21] =	ssyncadd.s32 $0xFFFFE000  }
.Ltmp0:
0xde: {  	_ =	swait.ge [sflag:s21], $0x2000;
	(pc) =	sbr.rel @p0 .LBB2_2-.Ltmp0, $4  }
0xdf: {  	[sflag:s21] =	ssyncset.done $0x0  }
0xe0: {  	[sflag:s21] =	ssyncadd.s32 $0xFFFFE000  }
0xe1: {  	_ =	swait.ge [sflag:s21], $0x2000  }
0xe2: {  	s23 =	sadd.s32 $0xA0000, s23;
	[sflag:s21] =	ssyncset.done $0x0  }
0xe3: {  	s22 =	sadd.s32 $0x1, s22  }
0xe4: {  	p0 =	sne.s32 s22, s5  }
.Ltmp1:
0xe5: {  	_ = 	snop;
	(pc) =	sbr.rel @p0 .LBB2_1-.Ltmp1, $2  }
0xe6: {  	_ =	sdelay $0x2  }
0xe7: {  	[sflag:s21] =	ssyncadd.s32 $0xFFFFE000  }
0xe8: {  	_ =	sfence.sel $0x180000  }
0xe9: {  	[bflag:$0x0] =	sbarrier.arrive $0xFFFF  }
0xea: {  	p0 =	sne.s32 s1, $0x0;
	_ =	strace $0x90000047  }
0xeb: {  	s0 =	sadd.s32 @!p0 $0x100000, s0;
	[bflag:$0x2] =	sbarrier.arrive $0xFFFF  }
0xec: {  	[sflag:s0] =	ssyncadd.tile.s32 @!p0 $0x1;
	_ =	shalt  }
.Lfunc_end2:
_tile_overlayer_lowered:
.L_overlay_start_2:
0xed: {  	(tag) =	ssettag $0x2  }
0xee: {  	s0 =	rddreg [dreg:$0x0];
	s2 =	stileid.u32  }
0xef: {  	s1 =	rddreg [dreg:$0x1];
	p0 =	sne.s32 s2, $0x0  }
0xf0: {  	s3 =	rddreg [dreg:$0x2];
	[bflag:$0x3] =	sbarrier.arrive $0xFFFF;
	s2 =	simm.s32 @!p0 $0x1C03  }
0xf1: {  	[timem:s3], [sflag:s2] =	dma.local @!p0 [hbm:s0], s1  }
0xf2: {  	s0 =	simm.s32 @!p0 $0x3  }
0xf3: {  	_ =	swait.ge @!p0 [sflag:s0], s1  }
0xf4: {  	s1 =	ssub.s32 @!p0 $0x0, s1;
	[sflag:s0] =	ssyncset.done @!p0 $0x0  }
0xf5: {  	[sflag:s0] =	ssyncadd.s32 @!p0 s1  }
0xf6: {  	[bflag:$0x3] =	sbarrier.arrive $0xFFFF  }
0xf7: {  	_ =	shalt  }

// kernel: sparse-core-data-format-call.cloned.1.call-start
scs
called_computation_lowered:
.L_overlay_start_0:
0x0: {  	s2 =	sld [smem:$0x3FD9]  }
0x1: {  	s3 =	sld [smem:$0x3FFE];
	_ =	sdelay $0x1  }
0x2: {  	s1 =	srdreg.scid  }
0x3: {  	s0 =	sand.u32 $0x1, s1  }
0x4: {  	s18 =	sshll.u32 s0, $0xA;
	s2 =	sadd.s32 s3, s2  }
0x5: {  	s2 =	sadd.s32 s2, s18  }
0x6: {  	[smem:$0x3FC5] =	sst s2  }
0x7: {  	_ = 	snop  }
0x8: {  	s2 =	sld [smem:$0x3FD0];
	(tm) =	ssettm $0x1  }
0x9: {  	s19 =	sld [smem:$0x3FFB];
	_ =	sdelay $0x3  }
0xa: {  	_ =	strace s19  }
0xb: {  	s3 =	sld [smem:$0x3FFC];
	_ =	sdelay $0x3  }
0xc: {  	_ =	strace s3  }
0xd: {  	s3 =	sld [smem:$0x3FFD];
	_ =	sdelay $0x3  }
0xe: {  	_ =	strace s3  }
0xf: {  	_ =	strace $0x8FFFFFFF  }
0x10: {  	s20 =	sld [smem:$0x3FDB];
	_ =	sdelay $0x1  }
0x11: {  	s4 =	simm.s32 $_scs_section_size  }
0x12: {  	s5 =	simm.s32 $_size__tile_overlayer_lowered;
	s6 =	simm.s32 $_tile_overlayer_lowered  }
0x13: {  	s23 =	simm.s32 $0x1BFF;
	s22 =	sshll.u32 s6, $0x1;
	s3 =	sadd.s32 s4, s20  }
0x14: {  	s7 =	simm.s32 $0x0;
	s21 =	sshll.u32 s5, $0x1;
	s5 =	sadd.s32 s22, s3  }
0x15: {  	[timem:s7], [sflag:s23] =	dma.local [hbm:s5], s21  }
0x16: {  	_ =	swait.ge [sflag:s23], s21  }
0x17: {  	s4 =	ssub.s32 $0x0, s21;
	[sflag:s23] =	ssyncset.done $0x0  }
0x18: {  	[sflag:s23] =	ssyncadd.s32 s4;
	_ =	sdelay $0x1  }
0x19: {  	s24 =	simm.s32 $0x1B8B  }
0x1a: {  	_ =	swait.ge [sflag:s24], $0x1  }
0x1b: {  	[sflag:s24] =	ssyncset.done $0x0  }
0x1c: {  	s26 =	simm.s32 $0x1B8E;
	s25 =	sld [smem:$0x3FFE];
	[sflag:s24] =	ssyncadd.s32 $0xFFFFFFFF  }
0x1d: {  	s27 =	simm.s32 $execute0_lowered;
	[smem:$0x3FD2] =	sst s26  }
0x1e: {  	s5 =	sshll.u32 s27, $0x1;
	_ =	strace $0x80000049;
	[dreg:$0x1] =	wrdreg $0xFFFFFFFF  }
0x1f: {  	s28 =	simm.s32 $_size_execute0_lowered;
	s3 =	sadd.s32 s3, s5;
	[dreg:$0x0] =	wrdreg $0x0  }
0x20: {  	s5 =	sshll.u32 s28, $0x1;
	[dreg:$0x2] =	wrdreg s3  }
0x21: {  	[dreg:$0x3] =	wrdreg s5  }
0x22: {  	[dreg:$0x4] =	wrdreg $0xC0  }
0x23: {  	_ =	task [dreg:s7], $0x5FFFF  }
0x24: {  	[dreg:$0x1] =	wrdreg $0xFFFFFFFF  }
0x25: {  	[dreg:$0x0] =	wrdreg $0x60  }
0x26: {  	[dreg:$0x2] =	wrdreg s25  }
0x27: {  	[dreg:$0x3] =	wrdreg s2  }
0x28: {  	[dreg:$0x4] =	wrdreg $0x9  }
0x29: {  	_ =	task.clear_ibuf [dreg:s7], $0x5FFFF;
	_ =	strace $0x90000049  }
0x2a: {  	s29 =	simm.s32 $0x9;
	_ =	strace $0x8000004B  }
0x2b: {  	_ =	swait.ge [sflag:s29], $0x1  }
0x2c: {  	[sflag:s29] =	ssyncadd.s32 $0xFFFFFFFF  }
0x2d: {  	_ =	strace $0x9000004B  }
0x2e: {  	_ =	sfence  }
0x2f: {  	s30 =	sld [smem:$0x0];
	_ =	sdelay $0x2  }
0x30: {  	s31 =	sshll.u32 s1, $0xD;
	s1 =	sshrl.u32 s1, $0x2  }
0x31: {  	s3 =	sand.u32 $0x4000, s31;
	s1 =	sadd.s32 s1, s30  }
0x32: {  	s0 =	sor.u32 s3, s0;
	s1 =	sshll.u32 s1, $0x11  }
0x33: {  	s0 =	sor.u32 s1, s0  }
0x34: {  	s0 =	sadd.s32 $0x8F2B, s0  }
0x35: {  	[sflag:s0] =	ssyncadd.remote.s32 $0x1  }
0x36: {  	_ =	sfence.sel $0xFFFF  }
0x37: {  	[dreg:$0x0] =	wrdreg $0xFFFFFFFF;
	(pc) =	sbr.abs _section_cstart, $3  }
0x38: {  	[dreg:$0x1] =	wrdreg $0xFFFFFFFF  }
0x39: {  	_ =	task.clear_ibuf [dreg:s7], $0x2FFFF;
	_ =	strace $0x9FFFFFFF  }
0x3a: {  	(tm) =	ssettm $0x7FFFFFFF  }
0x3b: {  	_ =	shalt  }
tec
execute0_lowered:
.L_overlay_start_1:
0x0: {  	(tag) =	ssettag $0x1  }
0x1: {  	s0 =	srdreg.scid  }
0x2: {  	s1 =	sshll.u32 s0, $0x4  }
0x3: {  	s5 =	rddreg [dreg:$0x0];
	s0 =	stileid.u32;
	s1 =	sand.u32 $0x10, s1  }
0x4: {  	s3 =	rddreg [dreg:$0x1];
	s31 =	simm.s32 $0x2;
	s4 =	sor.u32 s0, s1  }
0x5: {  	s13 =	simm.s32 $0x0;
	s9 =	simm.s32 $0x400;
	s2 =	sshll.u32 s4, $0x7  }
0x6: {  	s10 =	simm.s32 $0x8000;
	s14 =	simm.s32 $0x0;
	s6 =	ssub.s32 $0x1000, s2  }
0x7: {  	s1 =	rddreg [dreg:$0x2];
	_ =	strace $0x8000004A;
	s7 =	sand.u32 $0xF80, s6  }
0x8: {  	s4 =	sshll.u32 s4, $0xB;
	p0 =	sne.s32 s7, $0x0;
	s7 =	simm.s32 $0x1  }
.Ltmp0:
0x9: {  	s6 =	sshrl.u32 s6, $0xC;
	s7 =	simm.s32 @!p0 $0x0;
	(pc) =	sbr.rel .LBB1_1-.Ltmp0, $4  }
0xa: {  	s8 =	sadd.s32 s4, s5;
	s4 =	simm.s32 $0x1;
	s30 =	sadd.s32 s7, s6  }
0xb: {  	s11 =	simm.s32 $0x0;
	[sflag:s4] =	ssyncpa.u1 $0x0;
	s5 =	smul.u32 $0x64, s30  }
0xc: {  	s12 =	simm.s32 $0x0;
	[sflag:s31] =	ssyncpa.u1 $0x0;
	p0 =	por $0x0, $0x0  }
0xd: {  	s6 =	sadd.s32 $0xE1C00, s8;
	s7 =	sadd.s32 $0xF1C00, s8;
	s8 =	sor.u32 $0x1, s5  }
.LBB1_7:
0xe: {  	s15 =	sadd.s32 $0x2, s11  }
0xf: {  	p2 =	sgt.s32 s15, $0xC7  }
0x10: {  	s15 =	simm.s32 @p2 $0x0;
	p2 =	sne.s32 s12, s8  }
.Ltmp1:
0x11: {  	p1 =	slt.u32 s12, $0x2;
	(pc) =	sbr.rel @!p2 .LBB1_8-.Ltmp1, $4  }
0x12: {  	s13 =	simm.s32 @!p1 $0x2  }
0x13: {  	s16 =	sadd.s32 $0x1, s12;
	s14 =	smov.u32 s11;
	_ =	swait.ge @!p1 [sflag:s13], $0x4000  }
0x14: {  	p0 =	por !p0, !p0;
	s12 =	smov.u32 s16;
	[sflag:s13] =	ssyncset.done @!p1 $0x0  }
0x15: {  	s11 =	smov.u32 s15;
	[sflag:s13] =	ssyncadd.s32 @!p1 $0xFFFFC000;
	s13 =	smov.u32 s2  }
.LBB1_1:
0x16: {  	p1 =	sge.u32 s12, s5  }
0x17: {  	s15 =	sxor.u32 @!p1 $0xFFFFFFFF, s12  }
0x18: {  	s16 =	sshll.u32 @!p1 s11, $0x10;
	s18 =	simm.s32 @!p1 $0x40;
	s15 =	sshll.u32 @!p1 s15, $0xE  }
0x19: {  	s19 =	simm.s32 @!p1 $0x80;
	s17 =	sadd.s32 @!p1 s16, s6;
	s15 =	sand.u32 @!p1 $0x4000, s15  }
0x1a: {  	[tilespmem:s15], [sflag:$0x1] =	stream.strided.gather @!p1 [hbm4b:s17+s18], $0x2000, s19, s18, $0x38;
	[tilespmem:$0x10100] =	vst v63  }
0x1b: {  	s31 =	sadd.s32 $0xFFFFFFFF, s12;
	s16 =	sadd.s32 @!p1 s16, s7;
	s15 =	sor.u32 @!p1 $0x2000, s15  }
0x1c: {  	[tilespmem:s15], [sflag:$0x1] =	stream.strided.gather @!p1 [hbm4b:s16+s18], $0x2000, s19, s18, $0x38;
	[tilespmem:$0x10100] =	vst v63  }
0x1d: {  	p1 =	sge.u32 s31, s5  }
.Ltmp2:
0x1e: {  	_ = 	snop;
	(pc) =	sbr.rel @p1 .LBB1_7-.Ltmp2, $1  }
0x1f: {  	_ =	sdelay $0x3  }
0x20: {  	s15 =	simm.s32 $0x1;
	s17 =	sand.u32 $0x1, s12  }
0x21: {  	_ =	swait.ge [sflag:s4], $0x4000;
	s15 =	simm.s32 @!p0 $0x0;
	s17 =	smul.u32 $0x10200, s17  }
0x22: {  	p2 =	por $0x1, $0x1;
	[sflag:s4] =	ssyncset.done $0x0;
	s16 =	smul.u32 $0x10200, s15  }
0x23: {  	s18 =	sshll.u32 s15, $0x10;
	[sflag:s4] =	ssyncadd.s32 $0xFFFFC000;
	s30 =	sshrl.u32 s17, $0x2  }
0x24: {  	s31 =	sshrl.u32 s18, $0x2;
	s18 =	simm.s32 $0x0;
	s16 =	sshrl.u32 s16, $0x2  }
0x25: {  	s15 =	sor.u32 $0x8000, s30;
	s17 =	sadd.s32 $0x20, s31;
	s16 =	sor.u32 $0x8000, s16  }
.LBB1_3:
0x26: {  	s19 =	sshll.u32 s18, $0xD  }
0x27: {  	s19 =	sand.u32 $0x3FFFE000, s19  }
0x28: {  	s21 =	sadd.s32 s19, s17  }
0x29: {  	s31 =	smul.u32 $0x8100, s18;
	v3 =	vld [tilespmem:s21+$0x10]  }
0x2a: {  	v1 =	vld [tilespmem:s21+$0xFFFFFFF0]  }
0x2b: {  	s18 =	sshra.s32 s31, $0x2;
	v0 =	vld [tilespmem:s21+$0x0]  }
0x2c: {  	s18 =	sadd.s32 s18, s16;
	v2 =	vld [tilespmem:s21+$0xFFFFFFE0]  }
0x2d: {  	s19 =	sadd.s32 $0x0, s18  }
0x2e: {  	p1 =	por p2, p2;
	s20 =	simm.s32 $0x4;
	s21 =	sadd.s32 $0x40, s21;
	[tilespmem:s19+$0x1830 ss:$0x81] =	vst.msk $0xffff, v3  }
.LBB1_4:
0x2f: {  	v3 =	vld [tilespmem:s21+$0x10];
	p2 =	sne.s32 s20, $0x1FC;
	[tilespmem:s19+$0x810 ss:$0x81] =	vst.msk $0xffff, v1;
	s22 =	smov.u32 s20;
	s20 =	sadd.s32 $0x4, s20  }
.Ltmp3:
0x30: {  	v1 =	vld [tilespmem:s21+$0xFFFFFFF0];
	[tilespmem:s19+$0x1020 ss:$0x81] =	vst.msk $0xffff, v0;
	(pc) =	sbr.rel @p2 .LBB1_4-.Ltmp3, $4  }
0x31: {  	v0 =	vld [tilespmem:s21+$0x0];
	[tilespmem:s19+$0x0 ss:$0x81] =	vst.msk $0xffff, v2  }
0x32: {  	s19 =	sshra.s32 s22, $0x2;
	v2 =	vld [tilespmem:s21+$0xFFFFFFE0]  }
0x33: {  	s19 =	sadd.s32 s19, s18  }
0x34: {  	s21 =	sadd.s32 $0x40, s21;
	[tilespmem:s19+$0x1830 ss:$0x81] =	vst.msk $0xffff, v3  }
.Ltmp4:
0x35: {  	(pc) =	sbr.rel @p1 .LBB1_3-.Ltmp4, $4  }
0x36: {  	_ = 	snop  }
0x37: {  	[tilespmem:s19+$0x810 ss:$0x81] =	vst.msk $0xffff, v1  }
0x38: {  	[tilespmem:s19+$0x1020 ss:$0x81] =	vst.msk $0xffff, v0  }
0x39: {  	s18 =	simm.s32 $0x1;
	p2 =	por $0x0, $0x0;
	[tilespmem:s19+$0x0 ss:$0x81] =	vst.msk $0xffff, v2  }
.Ltmp5:
0x3a: {  	(pc) =	sbr.rel .LBB1_7-.Ltmp5, $4  }
0x3b: {  	s14 =	sshll.u32 s14, $0xF  }
0x3c: {  	s14 =	sadd.s32 s3, s14  }
0x3d: {  	s13 =	sadd.s32 s13, s14  }
0x3e: {  	[hbm4b:s13+s9] =	stream.strided.scatter [tilespmem:s15], [sflag:$0x2], $0x4000, s10, s9, $0x20;
	[tilespmem:$0x10100] =	vst v63  }
.LBB1_8:
0x3f: {  	_ =	sfence.sel $0x180000  }
0x40: {  	s2 =	simm.s32 $0x1;
	[bflag:$0x0] =	sbarrier.arrive $0xFFFF  }
0x41: {  	s31 =	simm.s32 $0x2;
	[sflag:s2] =	ssyncpa.u1 $0x1  }
0x42: {  	[sflag:s31] =	ssyncpa.u1 $0x1  }
0x43: {  	p0 =	sne.s32 s0, $0x0;
	_ =	strace $0x9000004A  }
0x44: {  	s0 =	sadd.s32 @!p0 $0x100000, s1;
	[bflag:$0x2] =	sbarrier.arrive $0xFFFF  }
0x45: {  	[sflag:s0] =	ssyncadd.tile.s32 @!p0 $0x1;
	_ =	shalt  }
.Lfunc_end1:
_tile_overlayer_lowered:
.L_overlay_start_2:
0x46: {  	(tag) =	ssettag $0x2  }
0x47: {  	s0 =	rddreg [dreg:$0x0];
	s2 =	stileid.u32  }
0x48: {  	s1 =	rddreg [dreg:$0x1];
	p0 =	sne.s32 s2, $0x0  }
0x49: {  	s3 =	rddreg [dreg:$0x2];
	[bflag:$0x3] =	sbarrier.arrive $0xFFFF;
	s2 =	simm.s32 @!p0 $0x1C01  }
0x4a: {  	[timem:s3], [sflag:s2] =	dma.local @!p0 [hbm:s0], s1  }
0x4b: {  	s0 =	simm.s32 @!p0 $0x1  }
0x4c: {  	_ =	swait.ge @!p0 [sflag:s0], s1  }
0x4d: {  	s1 =	ssub.s32 @!p0 $0x0, s1;
	[sflag:s0] =	ssyncset.done @!p0 $0x0  }
0x4e: {  	[sflag:s0] =	ssyncadd.s32 @!p0 s1  }
0x4f: {  	[bflag:$0x3] =	sbarrier.arrive $0xFFFF  }
0x50: {  	_ =	shalt  }

</sc_bundles>
